<compile_context>
chip_gen: v7x
topology: tpu7x:2x2x1
jax: 0.10.2.dev20260603
libtpu: 0.0.44.dev20260713+nightly
codegen_flags: <defaults>
</compile_context>

<pallas_src>
import jax
import jax.numpy as jnp
from jax import lax
from jax.experimental import pallas as pl
from jax.experimental.pallas import tpu as pltpu
from jax.experimental.pallas import tpu_sc as plsc

_ROWS = 16384
_COLS = 200
_N = _ROWS * _COLS
_NB = 25
_CHUNK = 16384
_NCHUNK = 200
_NW = 32
_MAXK = 7


def _gather16(w16, iv):
    return lax.gather(
        w16, iv[:, None],
        lax.GatherDimensionNumbers(
            offset_dims=(), collapsed_slice_dims=(0,), start_index_map=(0,)),
        slice_sizes=(1,),
        mode=lax.GatherScatterMode.PROMISE_IN_BOUNDS)


def _sc_body(x_hbm, w_hbm, out_hbm, w_v, idx0, idx1, res0, res1,
             isem0, isem1, osem0, osem1):
    wid = lax.axis_index("s") * 2 + lax.axis_index("c")
    pltpu.sync_copy(w_hbm, w_v)
    w16 = w_v[...]

    idx = (idx0, idx1)
    res = (res0, res1)
    isem = (isem0, isem1)
    osem = (osem0, osem1)

    def chunk_id(i):
        return wid + i * _NW

    def in_dma(i, buf):
        k = chunk_id(i)
        return pltpu.make_async_copy(
            x_hbm.at[k // 8, k % 8, :], idx[buf], isem[buf])

    def out_dma(i, buf):
        k = chunk_id(i)
        return pltpu.make_async_copy(
            res[buf], out_hbm.at[pl.ds(k * _CHUNK, _CHUNK)], osem[buf])

    @pl.when(chunk_id(0) < _NCHUNK)
    def _():
        in_dma(0, 0).start()

    for i in range(_MAXK):
        buf = i & 1

        @pl.when(chunk_id(i) < _NCHUNK)
        def _(i=i, buf=buf):
            in_dma(i, buf).wait()
            if i + 1 < _MAXK:
                @pl.when(chunk_id(i + 1) < _NCHUNK)
                def _():
                    in_dma(i + 1, 1 - buf).start()
            if i >= 2:
                out_dma(i - 2, buf).wait()

            def body(j, _):
                for u in range(8):
                    p = j * 128 + u * 16
                    res[buf][pl.ds(p, 16)] = _gather16(
                        w16, idx[buf][pl.ds(p, 16)])
                return 0

            lax.fori_loop(0, 128, body, 0)
            out_dma(i, buf).start()

    for i in (_MAXK - 2, _MAXK - 1):
        @pl.when(chunk_id(i) < _NCHUNK)
        def _(i=i):
            out_dma(i, i & 1).wait()


@jax.jit
def kernel(x, weight):
    x3 = x.T.reshape(_NB, 8, _ROWS)
    w_flat = jnp.pad(weight.reshape(-1).astype(jnp.float32), (0, 12))
    mesh = plsc.VectorSubcoreMesh(core_axis_name="c", subcore_axis_name="s")
    out_lin = pl.kernel(
        _sc_body,
        mesh=mesh,
        out_type=jax.ShapeDtypeStruct((_N,), jnp.float32),
        scratch_types=[
            pltpu.VMEM((16,), jnp.float32),
            pltpu.VMEM((_CHUNK,), jnp.int32),
            pltpu.VMEM((_CHUNK,), jnp.int32),
            pltpu.VMEM((_CHUNK,), jnp.float32),
            pltpu.VMEM((_CHUNK,), jnp.float32),
            pltpu.SemaphoreType.DMA,
            pltpu.SemaphoreType.DMA,
            pltpu.SemaphoreType.DMA,
            pltpu.SemaphoreType.DMA,
        ],
    )(x3, w_flat)
    return jnp.transpose(out_lin.reshape(_COLS, 1, _ROWS), (2, 0, 1))

# --- scband reference (transcript-rebuilt; emitter-appended) ---
"""Pipeline reference for scband-my-model-61933428411844 (READ-ONLY COPY).

The authoritative reference and input builder live on the scoring server;
editing this copy changes nothing except your own understanding.
"""

import jax, jax.numpy as jnp
import numpy as np

def setup_inputs(seed: int = 0) -> dict:
    key = jax.random.key(seed)
    x = jax.random.randint(key, (16384, 200), 0, 4, dtype=jnp.int64)
    # Embedding table per __init__: weight[i,0] = i for i in 0..3
    weight = jnp.arange(4, dtype=jnp.float32).reshape(4, 1)
    return {"x": x, "weight": weight}

def reference(x, weight):
    # nn.Embedding lookup -> gather rows of the table
    return jnp.take(weight, x, axis=0)

if __name__ == "__main__":
    import jax
    _d = setup_inputs()
    print(jax.jit(kernel)(*tuple(_d.values())))

</pallas_src>

<mosaic_0001>
#map = affine_map<(d0, d1) -> (0, 0, 0)>
#map1 = affine_map<(d0, d1) -> (0)>
module attributes {stable_mosaic.version = 14 : i64} {
  func.func @_sc_body(%arg0: i32, %arg1: i32, %arg2: memref<25x8x16384xi32, #tpu.memory_space<hbm>>, %arg3: memref<16xf32, #tpu.memory_space<hbm>>, %arg4: memref<3276800xf32, #tpu.memory_space<hbm>>, %arg5: memref<16xf32, #tpu.memory_space<vmem>>, %arg6: memref<16384xi32, #tpu.memory_space<vmem>>, %arg7: memref<16384xi32, #tpu.memory_space<vmem>>, %arg8: memref<16384xf32, #tpu.memory_space<vmem>>, %arg9: memref<16384xf32, #tpu.memory_space<vmem>>, %arg10: memref<!tpu.dma_semaphore, #tpu.memory_space<semaphore_mem>>, %arg11: memref<!tpu.dma_semaphore, #tpu.memory_space<semaphore_mem>>, %arg12: memref<!tpu.dma_semaphore, #tpu.memory_space<semaphore_mem>>, %arg13: memref<!tpu.dma_semaphore, #tpu.memory_space<semaphore_mem>>) attributes {dimension_semantics = [#tpu.dimension_semantics<core_parallel>, #tpu.dimension_semantics<subcore_parallel>], iteration_bounds = array<i64: 2, 16>, scalar_prefetch = 0 : i64, scratch_operands = 9 : i64, tpu.core_type = #tpu.core_type<sc_vector_subcore>, window_params = [{transform_indices = #map}, {transform_indices = #map1}, {transform_indices = #map1}]} {
    %mul3A = arith.constant 2 : i32
    %mul3A_0 = arith.muli %arg1, %mul3A : i32
    %add3A = arith.addi %mul3A_0, %arg0 : i32
    "tpu.region"() ({
      %run_scoped3A = tpu.sem_alloc : memref<!tpu.dma_semaphore, #tpu.memory_space<semaphore_mem>>
      tpu.enqueue_dma source(%arg3 : memref<16xf32, #tpu.memory_space<hbm>>) target(%arg5 : memref<16xf32, #tpu.memory_space<vmem>>) target_semaphore(%run_scoped3A : memref<!tpu.dma_semaphore, #tpu.memory_space<semaphore_mem>>)
      tpu.wait_dma2 semaphore(%run_scoped3A : memref<!tpu.dma_semaphore, #tpu.memory_space<semaphore_mem>>) src(%arg3 : memref<16xf32, #tpu.memory_space<hbm>>) dst(%arg5 : memref<16xf32, #tpu.memory_space<vmem>>)
      tpu.yield
    }) : () -> ()
    %get3A = arith.constant 0 : index
    %get3A_1 = tpu.vector_load %arg5[%get3A] {strides = array<i32>} : memref<16xf32, #tpu.memory_space<vmem>>, vector<16xf32>,
    %get3A_2 = vector.shape_cast %get3A_1 : vector<16xf32> to vector<16xf32>
    %add3A_3 = arith.constant 0 : i32
    %add3A_4 = arith.addi %add3A, %add3A_3 : i32
    %lt3A = arith.constant 200 : i32
    %lt3A_5 = arith.cmpi slt, %add3A_4, %lt3A : i32
    %convert_element_type3A = arith.extui %lt3A_5 : i1 to i32
    %cond3A = arith.constant 0 : i32
    %cond3A_6 = arith.cmpi ne, %convert_element_type3A, %cond3A : i32
    scf.if %cond3A_6 {
      %add3A_70 = arith.constant 0 : i32
      %add3A_71 = arith.addi %add3A, %add3A_70 : i32
      %jit3A = arith.constant 8 : i32
      %div3A = arith.divsi %add3A_71, %jit3A : i32
      %sign3A = arith.constant 0 : i32
      %sign3A_72 = arith.cmpi sgt, %add3A_71, %sign3A : i32
      %sign3A_73 = arith.extui %sign3A_72 : i1 to i32
      %sign3A_74 = arith.constant 0 : i32
      %sign3A_75 = arith.cmpi slt, %add3A_71, %sign3A_74 : i32
      %sign3A_76 = arith.extui %sign3A_75 : i1 to i32
      %sign3A_77 = arith.subi %sign3A_73, %sign3A_76 : i32
      %sign3A_78 = arith.constant 0 : i32
      %sign3A_79 = arith.cmpi sgt, %jit3A, %sign3A_78 : i32
      %sign3A_80 = arith.extui %sign3A_79 : i1 to i32
      %sign3A_81 = arith.constant 0 : i32
      %sign3A_82 = arith.cmpi slt, %jit3A, %sign3A_81 : i32
      %sign3A_83 = arith.extui %sign3A_82 : i1 to i32
      %sign3A_84 = arith.subi %sign3A_80, %sign3A_83 : i32
      %ne3A = arith.cmpi ne, %sign3A_77, %sign3A_84 : i32
      %rem3A = arith.remsi %add3A_71, %jit3A : i32
      %ne3A_85 = arith.constant 0 : i32
      %ne3A_86 = arith.cmpi ne, %rem3A, %ne3A_85 : i32
      %and3A = arith.andi %ne3A, %ne3A_86 : i1
      %sub3A = arith.constant 1 : i32
      %sub3A_87 = arith.subi %div3A, %sub3A : i32
      %select_n3A = arith.select %and3A, %sub3A_87, %div3A : i32
      %jit3A_88 = arith.constant 8 : i32
      %eq3A = arith.constant 0 : i32
      %eq3A_89 = arith.cmpi eq, %jit3A_88, %eq3A : i32
      %jit3A_90 = arith.constant 1 : i32
      %select_n3A_91 = arith.select %eq3A_89, %jit3A_90, %jit3A_88 : i32
      %rem3A_92 = arith.remsi %add3A_71, %select_n3A_91 : i32
      %ne3A_93 = arith.constant 0 : i32
      %ne3A_94 = arith.cmpi ne, %rem3A_92, %ne3A_93 : i32
      %lt3A_95 = arith.constant 0 : i32
      %lt3A_96 = arith.cmpi slt, %rem3A_92, %lt3A_95 : i32
      %lt3A_97 = arith.constant 0 : i32
      %lt3A_98 = arith.cmpi slt, %select_n3A_91, %lt3A_97 : i32
      %ne3A_99 = arith.xori %lt3A_96, %lt3A_98 : i1
      %and3A_100 = arith.andi %ne3A_99, %ne3A_94 : i1
      %add3A_101 = arith.addi %rem3A_92, %select_n3A_91 : i32
      %select_n3A_102 = arith.select %and3A_100, %add3A_101, %rem3A_92 : i32
      %dma_start3A = arith.constant 0 : i32
      %dma_start3A_103 = tpu.memref_slice %arg2[%select_n3A, %select_n3A_102, %dma_start3A] : memref<25x8x16384xi32, #tpu.memory_space<hbm>> -> memref<1x1x16384xi32, #tpu.memory_space<hbm>>
      %dma_start3A_104 = tpu.memref_squeeze %dma_start3A_103 : memref<1x1x16384xi32, #tpu.memory_space<hbm>> -> memref<16384xi32, #tpu.memory_space<hbm>>
      %dma_start3A_105 = arith.constant 0 : i32
      %dma_start3A_106 = tpu.memref_slice %arg2[%select_n3A, %select_n3A_102, %dma_start3A_105] : memref<25x8x16384xi32, #tpu.memory_space<hbm>> -> memref<1x1x16384xi32, #tpu.memory_space<hbm>>
      %dma_start3A_107 = tpu.memref_squeeze %dma_start3A_106 : memref<1x1x16384xi32, #tpu.memory_space<hbm>> -> memref<16384xi32, #tpu.memory_space<hbm>>
      tpu.enqueue_dma source(%dma_start3A_107 : memref<16384xi32, #tpu.memory_space<hbm>>) target(%arg6 : memref<16384xi32, #tpu.memory_space<vmem>>) target_semaphore(%arg10 : memref<!tpu.dma_semaphore, #tpu.memory_space<semaphore_mem>>)
    } else {
    }
    %add3A_7 = arith.constant 0 : i32
    %add3A_8 = arith.addi %add3A, %add3A_7 : i32
    %lt3A_9 = arith.constant 200 : i32
    %lt3A_10 = arith.cmpi slt, %add3A_8, %lt3A_9 : i32
    %convert_element_type3A_11 = arith.extui %lt3A_10 : i1 to i32
    %cond3A_12 = arith.constant 0 : i32
    %cond3A_13 = arith.cmpi ne, %convert_element_type3A_11, %cond3A_12 : i32
    scf.if %cond3A_13 {
      %add3A_70 = arith.constant 0 : i32
      %add3A_71 = arith.addi %add3A, %add3A_70 : i32
      %jit3A = arith.constant 8 : i32
      %div3A = arith.divsi %add3A_71, %jit3A : i32
      %sign3A = arith.constant 0 : i32
      %sign3A_72 = arith.cmpi sgt, %add3A_71, %sign3A : i32
      %sign3A_73 = arith.extui %sign3A_72 : i1 to i32
      %sign3A_74 = arith.constant 0 : i32
      %sign3A_75 = arith.cmpi slt, %add3A_71, %sign3A_74 : i32
      %sign3A_76 = arith.extui %sign3A_75 : i1 to i32
      %sign3A_77 = arith.subi %sign3A_73, %sign3A_76 : i32
      %sign3A_78 = arith.constant 0 : i32
      %sign3A_79 = arith.cmpi sgt, %jit3A, %sign3A_78 : i32
      %sign3A_80 = arith.extui %sign3A_79 : i1 to i32
      %sign3A_81 = arith.constant 0 : i32
      %sign3A_82 = arith.cmpi slt, %jit3A, %sign3A_81 : i32
      %sign3A_83 = arith.extui %sign3A_82 : i1 to i32
      %sign3A_84 = arith.subi %sign3A_80, %sign3A_83 : i32
      %ne3A = arith.cmpi ne, %sign3A_77, %sign3A_84 : i32
      %rem3A = arith.remsi %add3A_71, %jit3A : i32
      %ne3A_85 = arith.constant 0 : i32
      %ne3A_86 = arith.cmpi ne, %rem3A, %ne3A_85 : i32
      %and3A = arith.andi %ne3A, %ne3A_86 : i1
      %sub3A = arith.constant 1 : i32
      %sub3A_87 = arith.subi %div3A, %sub3A : i32
      %select_n3A = arith.select %and3A, %sub3A_87, %div3A : i32
      %jit3A_88 = arith.constant 8 : i32
      %eq3A = arith.constant 0 : i32
      %eq3A_89 = arith.cmpi eq, %jit3A_88, %eq3A : i32
      %jit3A_90 = arith.constant 1 : i32
      %select_n3A_91 = arith.select %eq3A_89, %jit3A_90, %jit3A_88 : i32
      %rem3A_92 = arith.remsi %add3A_71, %select_n3A_91 : i32
      %ne3A_93 = arith.constant 0 : i32
      %ne3A_94 = arith.cmpi ne, %rem3A_92, %ne3A_93 : i32
      %lt3A_95 = arith.constant 0 : i32
      %lt3A_96 = arith.cmpi slt, %rem3A_92, %lt3A_95 : i32
      %lt3A_97 = arith.constant 0 : i32
      %lt3A_98 = arith.cmpi slt, %select_n3A_91, %lt3A_97 : i32
      %ne3A_99 = arith.xori %lt3A_96, %lt3A_98 : i1
      %and3A_100 = arith.andi %ne3A_99, %ne3A_94 : i1
      %add3A_101 = arith.addi %rem3A_92, %select_n3A_91 : i32
      %select_n3A_102 = arith.select %and3A_100, %add3A_101, %rem3A_92 : i32
      %dma_wait3A = arith.constant 0 : i32
      %dma_wait3A_103 = tpu.memref_slice %arg2[%select_n3A, %select_n3A_102, %dma_wait3A] : memref<25x8x16384xi32, #tpu.memory_space<hbm>> -> memref<1x1x16384xi32, #tpu.memory_space<hbm>>
      %dma_wait3A_104 = tpu.memref_squeeze %dma_wait3A_103 : memref<1x1x16384xi32, #tpu.memory_space<hbm>> -> memref<16384xi32, #tpu.memory_space<hbm>>
      %dma_wait3A_105 = arith.constant 0 : i32
      %dma_wait3A_106 = tpu.memref_slice %arg2[%select_n3A, %select_n3A_102, %dma_wait3A_105] : memref<25x8x16384xi32, #tpu.memory_space<hbm>> -> memref<1x1x16384xi32, #tpu.memory_space<hbm>>
      %dma_wait3A_107 = tpu.memref_squeeze %dma_wait3A_106 : memref<1x1x16384xi32, #tpu.memory_space<hbm>> -> memref<16384xi32, #tpu.memory_space<hbm>>
      tpu.wait_dma2 semaphore(%arg10 : memref<!tpu.dma_semaphore, #tpu.memory_space<semaphore_mem>>) src(%dma_wait3A_107 : memref<16384xi32, #tpu.memory_space<hbm>>) dst(%arg6 : memref<16384xi32, #tpu.memory_space<vmem>>)
      %add3A_108 = arith.constant 32 : i32
      %add3A_109 = arith.addi %add3A, %add3A_108 : i32
      %lt3A_110 = arith.constant 200 : i32
      %lt3A_111 = arith.cmpi slt, %add3A_109, %lt3A_110 : i32
      %convert_element_type3A_112 = arith.extui %lt3A_111 : i1 to i32
      %cond3A_113 = arith.constant 0 : i32
      %cond3A_114 = arith.cmpi ne, %convert_element_type3A_112, %cond3A_113 : i32
      scf.if %cond3A_114 {
        %add3A_126 = arith.constant 32 : i32
        %add3A_127 = arith.addi %add3A, %add3A_126 : i32
        %jit3A_128 = arith.constant 8 : i32
        %div3A_129 = arith.divsi %add3A_127, %jit3A_128 : i32
        %sign3A_130 = arith.constant 0 : i32
        %sign3A_131 = arith.cmpi sgt, %add3A_127, %sign3A_130 : i32
        %sign3A_132 = arith.extui %sign3A_131 : i1 to i32
        %sign3A_133 = arith.constant 0 : i32
        %sign3A_134 = arith.cmpi slt, %add3A_127, %sign3A_133 : i32
        %sign3A_135 = arith.extui %sign3A_134 : i1 to i32
        %sign3A_136 = arith.subi %sign3A_132, %sign3A_135 : i32
        %sign3A_137 = arith.constant 0 : i32
        %sign3A_138 = arith.cmpi sgt, %jit3A_128, %sign3A_137 : i32
        %sign3A_139 = arith.extui %sign3A_138 : i1 to i32
        %sign3A_140 = arith.constant 0 : i32
        %sign3A_141 = arith.cmpi slt, %jit3A_128, %sign3A_140 : i32
        %sign3A_142 = arith.extui %sign3A_141 : i1 to i32
        %sign3A_143 = arith.subi %sign3A_139, %sign3A_142 : i32
        %ne3A_144 = arith.cmpi ne, %sign3A_136, %sign3A_143 : i32
        %rem3A_145 = arith.remsi %add3A_127, %jit3A_128 : i32
        %ne3A_146 = arith.constant 0 : i32
        %ne3A_147 = arith.cmpi ne, %rem3A_145, %ne3A_146 : i32
        %and3A_148 = arith.andi %ne3A_144, %ne3A_147 : i1
        %sub3A_149 = arith.constant 1 : i32
        %sub3A_150 = arith.subi %div3A_129, %sub3A_149 : i32
        %select_n3A_151 = arith.select %and3A_148, %sub3A_150, %div3A_129 : i32
        %jit3A_152 = arith.constant 8 : i32
        %eq3A_153 = arith.constant 0 : i32
        %eq3A_154 = arith.cmpi eq, %jit3A_152, %eq3A_153 : i32
        %jit3A_155 = arith.constant 1 : i32
        %select_n3A_156 = arith.select %eq3A_154, %jit3A_155, %jit3A_152 : i32
        %rem3A_157 = arith.remsi %add3A_127, %select_n3A_156 : i32
        %ne3A_158 = arith.constant 0 : i32
        %ne3A_159 = arith.cmpi ne, %rem3A_157, %ne3A_158 : i32
        %lt3A_160 = arith.constant 0 : i32
        %lt3A_161 = arith.cmpi slt, %rem3A_157, %lt3A_160 : i32
        %lt3A_162 = arith.constant 0 : i32
        %lt3A_163 = arith.cmpi slt, %select_n3A_156, %lt3A_162 : i32
        %ne3A_164 = arith.xori %lt3A_161, %lt3A_163 : i1
        %and3A_165 = arith.andi %ne3A_164, %ne3A_159 : i1
        %add3A_166 = arith.addi %rem3A_157, %select_n3A_156 : i32
        %select_n3A_167 = arith.select %and3A_165, %add3A_166, %rem3A_157 : i32
        %dma_start3A_168 = arith.constant 0 : i32
        %dma_start3A_169 = tpu.memref_slice %arg2[%select_n3A_151, %select_n3A_167, %dma_start3A_168] : memref<25x8x16384xi32, #tpu.memory_space<hbm>> -> memref<1x1x16384xi32, #tpu.memory_space<hbm>>
        %dma_start3A_170 = tpu.memref_squeeze %dma_start3A_169 : memref<1x1x16384xi32, #tpu.memory_space<hbm>> -> memref<16384xi32, #tpu.memory_space<hbm>>
        %dma_start3A_171 = arith.constant 0 : i32
        %dma_start3A_172 = tpu.memref_slice %arg2[%select_n3A_151, %select_n3A_167, %dma_start3A_171] : memref<25x8x16384xi32, #tpu.memory_space<hbm>> -> memref<1x1x16384xi32, #tpu.memory_space<hbm>>
        %dma_start3A_173 = tpu.memref_squeeze %dma_start3A_172 : memref<1x1x16384xi32, #tpu.memory_space<hbm>> -> memref<16384xi32, #tpu.memory_space<hbm>>
        tpu.enqueue_dma source(%dma_start3A_173 : memref<16384xi32, #tpu.memory_space<hbm>>) target(%arg7 : memref<16384xi32, #tpu.memory_space<vmem>>) target_semaphore(%arg11 : memref<!tpu.dma_semaphore, #tpu.memory_space<semaphore_mem>>)
      } else {
      }
      %scan3A = arith.constant 0 : i32
      %scan3A_115 = arith.constant 0 : i32
      %scan3A_116 = arith.constant 128 : i32
      %scan3A_117 = arith.addi %scan3A_115, %scan3A_116 : i32
      %scan3A_118 = arith.constant 1 : i32
      %scan3A_119 = scf.for %scan3A_126 = %scan3A_115 to %scan3A_117 step %scan3A_118 iter_args(%scan3A_127 = %scan3A) -> (i32)  : i32 {
        %mul3A_128 = arith.constant 128 : i32
        %mul3A_129 = arith.muli %scan3A_126, %mul3A_128 : i32
        %add3A_130 = arith.constant 0 : i32
        %add3A_131 = arith.addi %mul3A_129, %add3A_130 : i32
        %get3A_132 = arith.index_cast %add3A_131 : i32 to index
        %get3A_133 = tpu.vector_load %arg6[%get3A_132] {strides = array<i32>} : memref<16384xi32, #tpu.memory_space<vmem>>, vector<16xi32>,
        %get3A_134 = vector.shape_cast %get3A_133 : vector<16xi32> to vector<16xi32>
        %broadcast_in_dim3A = vector.shape_cast %get3A_134 : vector<16xi32> to vector<16x1xi32>
        %gather3A = vector.shape_cast %broadcast_in_dim3A : vector<16x1xi32> to vector<16xi32>
        %gather3A_135 = tpu.dynamic_gather %get3A_2[%gather3A] in [0] : vector<16xf32>, vector<16xi32> -> vector<16xf32>
        %swap3A = arith.index_cast %add3A_131 : i32 to index
        %swap3A_136 = tpu.vector_load %arg8[%swap3A] {strides = array<i32>} : memref<16384xf32, #tpu.memory_space<vmem>>, vector<16xf32>,
        %swap3A_137 = vector.shape_cast %swap3A_136 : vector<16xf32> to vector<16xf32>
        %swap3A_138 = vector.shape_cast %gather3A_135 : vector<16xf32> to vector<16xf32>
        tpu.vector_store %arg8[%swap3A], %swap3A_138 {strides = array<i32>} : memref<16384xf32, #tpu.memory_space<vmem>>, vector<16xf32>,
        %mul3A_139 = arith.constant 128 : i32
        %mul3A_140 = arith.muli %scan3A_126, %mul3A_139 : i32
        %add3A_141 = arith.constant 16 : i32
        %add3A_142 = arith.addi %mul3A_140, %add3A_141 : i32
        %get3A_143 = arith.index_cast %add3A_142 : i32 to index
        %get3A_144 = tpu.vector_load %arg6[%get3A_143] {strides = array<i32>} : memref<16384xi32, #tpu.memory_space<vmem>>, vector<16xi32>,
        %get3A_145 = vector.shape_cast %get3A_144 : vector<16xi32> to vector<16xi32>
        %broadcast_in_dim3A_146 = vector.shape_cast %get3A_145 : vector<16xi32> to vector<16x1xi32>
        %gather3A_147 = vector.shape_cast %broadcast_in_dim3A_146 : vector<16x1xi32> to vector<16xi32>
        %gather3A_148 = tpu.dynamic_gather %get3A_2[%gather3A_147] in [0] : vector<16xf32>, vector<16xi32> -> vector<16xf32>
        %swap3A_149 = arith.index_cast %add3A_142 : i32 to index
        %swap3A_150 = tpu.vector_load %arg8[%swap3A_149] {strides = array<i32>} : memref<16384xf32, #tpu.memory_space<vmem>>, vector<16xf32>,
        %swap3A_151 = vector.shape_cast %swap3A_150 : vector<16xf32> to vector<16xf32>
        %swap3A_152 = vector.shape_cast %gather3A_148 : vector<16xf32> to vector<16xf32>
        tpu.vector_store %arg8[%swap3A_149], %swap3A_152 {strides = array<i32>} : memref<16384xf32, #tpu.memory_space<vmem>>, vector<16xf32>,
        %mul3A_153 = arith.constant 128 : i32
        %mul3A_154 = arith.muli %scan3A_126, %mul3A_153 : i32
        %add3A_155 = arith.constant 32 : i32
        %add3A_156 = arith.addi %mul3A_154, %add3A_155 : i32
        %get3A_157 = arith.index_cast %add3A_156 : i32 to index
        %get3A_158 = tpu.vector_load %arg6[%get3A_157] {strides = array<i32>} : memref<16384xi32, #tpu.memory_space<vmem>>, vector<16xi32>,
        %get3A_159 = vector.shape_cast %get3A_158 : vector<16xi32> to vector<16xi32>
        %broadcast_in_dim3A_160 = vector.shape_cast %get3A_159 : vector<16xi32> to vector<16x1xi32>
        %gather3A_161 = vector.shape_cast %broadcast_in_dim3A_160 : vector<16x1xi32> to vector<16xi32>
        %gather3A_162 = tpu.dynamic_gather %get3A_2[%gather3A_161] in [0] : vector<16xf32>, vector<16xi32> -> vector<16xf32>
        %swap3A_163 = arith.index_cast %add3A_156 : i32 to index
        %swap3A_164 = tpu.vector_load %arg8[%swap3A_163] {strides = array<i32>} : memref<16384xf32, #tpu.memory_space<vmem>>, vector<16xf32>,
        %swap3A_165 = vector.shape_cast %swap3A_164 : vector<16xf32> to vector<16xf32>
        %swap3A_166 = vector.shape_cast %gather3A_162 : vector<16xf32> to vector<16xf32>
        tpu.vector_store %arg8[%swap3A_163], %swap3A_166 {strides = array<i32>} : memref<16384xf32, #tpu.memory_space<vmem>>, vector<16xf32>,
        %mul3A_167 = arith.constant 128 : i32
        %mul3A_168 = arith.muli %scan3A_126, %mul3A_167 : i32
        %add3A_169 = arith.constant 48 : i32
        %add3A_170 = arith.addi %mul3A_168, %add3A_169 : i32
        %get3A_171 = arith.index_cast %add3A_170 : i32 to index
        %get3A_172 = tpu.vector_load %arg6[%get3A_171] {strides = array<i32>} : memref<16384xi32, #tpu.memory_space<vmem>>, vector<16xi32>,
        %get3A_173 = vector.shape_cast %get3A_172 : vector<16xi32> to vector<16xi32>
        %broadcast_in_dim3A_174 = vector.shape_cast %get3A_173 : vector<16xi32> to vector<16x1xi32>
        %gather3A_175 = vector.shape_cast %broadcast_in_dim3A_174 : vector<16x1xi32> to vector<16xi32>
        %gather3A_176 = tpu.dynamic_gather %get3A_2[%gather3A_175] in [0] : vector<16xf32>, vector<16xi32> -> vector<16xf32>
        %swap3A_177 = arith.index_cast %add3A_170 : i32 to index
        %swap3A_178 = tpu.vector_load %arg8[%swap3A_177] {strides = array<i32>} : memref<16384xf32, #tpu.memory_space<vmem>>, vector<16xf32>,
        %swap3A_179 = vector.shape_cast %swap3A_178 : vector<16xf32> to vector<16xf32>
        %swap3A_180 = vector.shape_cast %gather3A_176 : vector<16xf32> to vector<16xf32>
        tpu.vector_store %arg8[%swap3A_177], %swap3A_180 {strides = array<i32>} : memref<16384xf32, #tpu.memory_space<vmem>>, vector<16xf32>,
        %mul3A_181 = arith.constant 128 : i32
        %mul3A_182 = arith.muli %scan3A_126, %mul3A_181 : i32
        %add3A_183 = arith.constant 64 : i32
        %add3A_184 = arith.addi %mul3A_182, %add3A_183 : i32
        %get3A_185 = arith.index_cast %add3A_184 : i32 to index
        %get3A_186 = tpu.vector_load %arg6[%get3A_185] {strides = array<i32>} : memref<16384xi32, #tpu.memory_space<vmem>>, vector<16xi32>,
        %get3A_187 = vector.shape_cast %get3A_186 : vector<16xi32> to vector<16xi32>
        %broadcast_in_dim3A_188 = vector.shape_cast %get3A_187 : vector<16xi32> to vector<16x1xi32>
        %gather3A_189 = vector.shape_cast %broadcast_in_dim3A_188 : vector<16x1xi32> to vector<16xi32>
        %gather3A_190 = tpu.dynamic_gather %get3A_2[%gather3A_189] in [0] : vector<16xf32>, vector<16xi32> -> vector<16xf32>
        %swap3A_191 = arith.index_cast %add3A_184 : i32 to index
        %swap3A_192 = tpu.vector_load %arg8[%swap3A_191] {strides = array<i32>} : memref<16384xf32, #tpu.memory_space<vmem>>, vector<16xf32>,
        %swap3A_193 = vector.shape_cast %swap3A_192 : vector<16xf32> to vector<16xf32>
        %swap3A_194 = vector.shape_cast %gather3A_190 : vector<16xf32> to vector<16xf32>
        tpu.vector_store %arg8[%swap3A_191], %swap3A_194 {strides = array<i32>} : memref<16384xf32, #tpu.memory_space<vmem>>, vector<16xf32>,
        %mul3A_195 = arith.constant 128 : i32
        %mul3A_196 = arith.muli %scan3A_126, %mul3A_195 : i32
        %add3A_197 = arith.constant 80 : i32
        %add3A_198 = arith.addi %mul3A_196, %add3A_197 : i32
        %get3A_199 = arith.index_cast %add3A_198 : i32 to index
        %get3A_200 = tpu.vector_load %arg6[%get3A_199] {strides = array<i32>} : memref<16384xi32, #tpu.memory_space<vmem>>, vector<16xi32>,
        %get3A_201 = vector.shape_cast %get3A_200 : vector<16xi32> to vector<16xi32>
        %broadcast_in_dim3A_202 = vector.shape_cast %get3A_201 : vector<16xi32> to vector<16x1xi32>
        %gather3A_203 = vector.shape_cast %broadcast_in_dim3A_202 : vector<16x1xi32> to vector<16xi32>
        %gather3A_204 = tpu.dynamic_gather %get3A_2[%gather3A_203] in [0] : vector<16xf32>, vector<16xi32> -> vector<16xf32>
        %swap3A_205 = arith.index_cast %add3A_198 : i32 to index
        %swap3A_206 = tpu.vector_load %arg8[%swap3A_205] {strides = array<i32>} : memref<16384xf32, #tpu.memory_space<vmem>>, vector<16xf32>,
        %swap3A_207 = vector.shape_cast %swap3A_206 : vector<16xf32> to vector<16xf32>
        %swap3A_208 = vector.shape_cast %gather3A_204 : vector<16xf32> to vector<16xf32>
        tpu.vector_store %arg8[%swap3A_205], %swap3A_208 {strides = array<i32>} : memref<16384xf32, #tpu.memory_space<vmem>>, vector<16xf32>,
        %mul3A_209 = arith.constant 128 : i32
        %mul3A_210 = arith.muli %scan3A_126, %mul3A_209 : i32
        %add3A_211 = arith.constant 96 : i32
        %add3A_212 = arith.addi %mul3A_210, %add3A_211 : i32
        %get3A_213 = arith.index_cast %add3A_212 : i32 to index
        %get3A_214 = tpu.vector_load %arg6[%get3A_213] {strides = array<i32>} : memref<16384xi32, #tpu.memory_space<vmem>>, vector<16xi32>,
        %get3A_215 = vector.shape_cast %get3A_214 : vector<16xi32> to vector<16xi32>
        %broadcast_in_dim3A_216 = vector.shape_cast %get3A_215 : vector<16xi32> to vector<16x1xi32>
        %gather3A_217 = vector.shape_cast %broadcast_in_dim3A_216 : vector<16x1xi32> to vector<16xi32>
        %gather3A_218 = tpu.dynamic_gather %get3A_2[%gather3A_217] in [0] : vector<16xf32>, vector<16xi32> -> vector<16xf32>
        %swap3A_219 = arith.index_cast %add3A_212 : i32 to index
        %swap3A_220 = tpu.vector_load %arg8[%swap3A_219] {strides = array<i32>} : memref<16384xf32, #tpu.memory_space<vmem>>, vector<16xf32>,
        %swap3A_221 = vector.shape_cast %swap3A_220 : vector<16xf32> to vector<16xf32>
        %swap3A_222 = vector.shape_cast %gather3A_218 : vector<16xf32> to vector<16xf32>
        tpu.vector_store %arg8[%swap3A_219], %swap3A_222 {strides = array<i32>} : memref<16384xf32, #tpu.memory_space<vmem>>, vector<16xf32>,
        %mul3A_223 = arith.constant 128 : i32
        %mul3A_224 = arith.muli %scan3A_126, %mul3A_223 : i32
        %add3A_225 = arith.constant 112 : i32
        %add3A_226 = arith.addi %mul3A_224, %add3A_225 : i32
        %get3A_227 = arith.index_cast %add3A_226 : i32 to index
        %get3A_228 = tpu.vector_load %arg6[%get3A_227] {strides = array<i32>} : memref<16384xi32, #tpu.memory_space<vmem>>, vector<16xi32>,
        %get3A_229 = vector.shape_cast %get3A_228 : vector<16xi32> to vector<16xi32>
        %broadcast_in_dim3A_230 = vector.shape_cast %get3A_229 : vector<16xi32> to vector<16x1xi32>
        %gather3A_231 = vector.shape_cast %broadcast_in_dim3A_230 : vector<16x1xi32> to vector<16xi32>
        %gather3A_232 = tpu.dynamic_gather %get3A_2[%gather3A_231] in [0] : vector<16xf32>, vector<16xi32> -> vector<16xf32>
        %swap3A_233 = arith.index_cast %add3A_226 : i32 to index
        %swap3A_234 = tpu.vector_load %arg8[%swap3A_233] {strides = array<i32>} : memref<16384xf32, #tpu.memory_space<vmem>>, vector<16xf32>,
        %swap3A_235 = vector.shape_cast %swap3A_234 : vector<16xf32> to vector<16xf32>
        %swap3A_236 = vector.shape_cast %gather3A_232 : vector<16xf32> to vector<16xf32>
        tpu.vector_store %arg8[%swap3A_233], %swap3A_236 {strides = array<i32>} : memref<16384xf32, #tpu.memory_space<vmem>>, vector<16xf32>,
        %scan3A_237 = arith.constant 0 : i32
        scf.yield %scan3A_237 : i32
      }
      %scan3A_120 = arith.constant 128 : i32
      %add3A_121 = arith.constant 0 : i32
      %add3A_122 = arith.addi %add3A, %add3A_121 : i32
      %mul3A_123 = arith.constant 16384 : i32
      %mul3A_124 = arith.muli %add3A_122, %mul3A_123 : i32
      %dma_start3A = tpu.memref_slice %arg4[%mul3A_124] : memref<3276800xf32, #tpu.memory_space<hbm>> -> memref<16384xf32, #tpu.memory_space<hbm>>
      %dma_start3A_125 = tpu.memref_slice %arg4[%mul3A_124] : memref<3276800xf32, #tpu.memory_space<hbm>> -> memref<16384xf32, #tpu.memory_space<hbm>>
      tpu.enqueue_dma source(%arg8 : memref<16384xf32, #tpu.memory_space<vmem>>) target(%dma_start3A_125 : memref<16384xf32, #tpu.memory_space<hbm>>) target_semaphore(%arg12 : memref<!tpu.dma_semaphore, #tpu.memory_space<semaphore_mem>>)
    } else {
    }
    %add3A_14 = arith.constant 32 : i32
    %add3A_15 = arith.addi %add3A, %add3A_14 : i32
    %lt3A_16 = arith.constant 200 : i32
    %lt3A_17 = arith.cmpi slt, %add3A_15, %lt3A_16 : i32
    %convert_element_type3A_18 = arith.extui %lt3A_17 : i1 to i32
    %cond3A_19 = arith.constant 0 : i32
    %cond3A_20 = arith.cmpi ne, %convert_element_type3A_18, %cond3A_19 : i32
    scf.if %cond3A_20 {
      %add3A_70 = arith.constant 32 : i32
      %add3A_71 = arith.addi %add3A, %add3A_70 : i32
      %jit3A = arith.constant 8 : i32
      %div3A = arith.divsi %add3A_71, %jit3A : i32
      %sign3A = arith.constant 0 : i32
      %sign3A_72 = arith.cmpi sgt, %add3A_71, %sign3A : i32
      %sign3A_73 = arith.extui %sign3A_72 : i1 to i32
      %sign3A_74 = arith.constant 0 : i32
      %sign3A_75 = arith.cmpi slt, %add3A_71, %sign3A_74 : i32
      %sign3A_76 = arith.extui %sign3A_75 : i1 to i32
      %sign3A_77 = arith.subi %sign3A_73, %sign3A_76 : i32
      %sign3A_78 = arith.constant 0 : i32
      %sign3A_79 = arith.cmpi sgt, %jit3A, %sign3A_78 : i32
      %sign3A_80 = arith.extui %sign3A_79 : i1 to i32
      %sign3A_81 = arith.constant 0 : i32
      %sign3A_82 = arith.cmpi slt, %jit3A, %sign3A_81 : i32
      %sign3A_83 = arith.extui %sign3A_82 : i1 to i32
      %sign3A_84 = arith.subi %sign3A_80, %sign3A_83 : i32
      %ne3A = arith.cmpi ne, %sign3A_77, %sign3A_84 : i32
      %rem3A = arith.remsi %add3A_71, %jit3A : i32
      %ne3A_85 = arith.constant 0 : i32
      %ne3A_86 = arith.cmpi ne, %rem3A, %ne3A_85 : i32
      %and3A = arith.andi %ne3A, %ne3A_86 : i1
      %sub3A = arith.constant 1 : i32
      %sub3A_87 = arith.subi %div3A, %sub3A : i32
      %select_n3A = arith.select %and3A, %sub3A_87, %div3A : i32
      %jit3A_88 = arith.constant 8 : i32
      %eq3A = arith.constant 0 : i32
      %eq3A_89 = arith.cmpi eq, %jit3A_88, %eq3A : i32
      %jit3A_90 = arith.constant 1 : i32
      %select_n3A_91 = arith.select %eq3A_89, %jit3A_90, %jit3A_88 : i32
      %rem3A_92 = arith.remsi %add3A_71, %select_n3A_91 : i32
      %ne3A_93 = arith.constant 0 : i32
      %ne3A_94 = arith.cmpi ne, %rem3A_92, %ne3A_93 : i32
      %lt3A_95 = arith.constant 0 : i32
      %lt3A_96 = arith.cmpi slt, %rem3A_92, %lt3A_95 : i32
      %lt3A_97 = arith.constant 0 : i32
      %lt3A_98 = arith.cmpi slt, %select_n3A_91, %lt3A_97 : i32
      %ne3A_99 = arith.xori %lt3A_96, %lt3A_98 : i1
      %and3A_100 = arith.andi %ne3A_99, %ne3A_94 : i1
      %add3A_101 = arith.addi %rem3A_92, %select_n3A_91 : i32
      %select_n3A_102 = arith.select %and3A_100, %add3A_101, %rem3A_92 : i32
      %dma_wait3A = arith.constant 0 : i32
      %dma_wait3A_103 = tpu.memref_slice %arg2[%select_n3A, %select_n3A_102, %dma_wait3A] : memref<25x8x16384xi32, #tpu.memory_space<hbm>> -> memref<1x1x16384xi32, #tpu.memory_space<hbm>>
      %dma_wait3A_104 = tpu.memref_squeeze %dma_wait3A_103 : memref<1x1x16384xi32, #tpu.memory_space<hbm>> -> memref<16384xi32, #tpu.memory_space<hbm>>
      %dma_wait3A_105 = arith.constant 0 : i32
      %dma_wait3A_106 = tpu.memref_slice %arg2[%select_n3A, %select_n3A_102, %dma_wait3A_105] : memref<25x8x16384xi32, #tpu.memory_space<hbm>> -> memref<1x1x16384xi32, #tpu.memory_space<hbm>>
      %dma_wait3A_107 = tpu.memref_squeeze %dma_wait3A_106 : memref<1x1x16384xi32, #tpu.memory_space<hbm>> -> memref<16384xi32, #tpu.memory_space<hbm>>
      tpu.wait_dma2 semaphore(%arg11 : memref<!tpu.dma_semaphore, #tpu.memory_space<semaphore_mem>>) src(%dma_wait3A_107 : memref<16384xi32, #tpu.memory_space<hbm>>) dst(%arg7 : memref<16384xi32, #tpu.memory_space<vmem>>)
      %add3A_108 = arith.constant 64 : i32
      %add3A_109 = arith.addi %add3A, %add3A_108 : i32
      %lt3A_110 = arith.constant 200 : i32
      %lt3A_111 = arith.cmpi slt, %add3A_109, %lt3A_110 : i32
      %convert_element_type3A_112 = arith.extui %lt3A_111 : i1 to i32
      %cond3A_113 = arith.constant 0 : i32
      %cond3A_114 = arith.cmpi ne, %convert_element_type3A_112, %cond3A_113 : i32
      scf.if %cond3A_114 {
        %add3A_126 = arith.constant 64 : i32
        %add3A_127 = arith.addi %add3A, %add3A_126 : i32
        %jit3A_128 = arith.constant 8 : i32
        %div3A_129 = arith.divsi %add3A_127, %jit3A_128 : i32
        %sign3A_130 = arith.constant 0 : i32
        %sign3A_131 = arith.cmpi sgt, %add3A_127, %sign3A_130 : i32
        %sign3A_132 = arith.extui %sign3A_131 : i1 to i32
        %sign3A_133 = arith.constant 0 : i32
        %sign3A_134 = arith.cmpi slt, %add3A_127, %sign3A_133 : i32
        %sign3A_135 = arith.extui %sign3A_134 : i1 to i32
        %sign3A_136 = arith.subi %sign3A_132, %sign3A_135 : i32
        %sign3A_137 = arith.constant 0 : i32
        %sign3A_138 = arith.cmpi sgt, %jit3A_128, %sign3A_137 : i32
        %sign3A_139 = arith.extui %sign3A_138 : i1 to i32
        %sign3A_140 = arith.constant 0 : i32
        %sign3A_141 = arith.cmpi slt, %jit3A_128, %sign3A_140 : i32
        %sign3A_142 = arith.extui %sign3A_141 : i1 to i32
        %sign3A_143 = arith.subi %sign3A_139, %sign3A_142 : i32
        %ne3A_144 = arith.cmpi ne, %sign3A_136, %sign3A_143 : i32
        %rem3A_145 = arith.remsi %add3A_127, %jit3A_128 : i32
        %ne3A_146 = arith.constant 0 : i32
        %ne3A_147 = arith.cmpi ne, %rem3A_145, %ne3A_146 : i32
        %and3A_148 = arith.andi %ne3A_144, %ne3A_147 : i1
        %sub3A_149 = arith.constant 1 : i32
        %sub3A_150 = arith.subi %div3A_129, %sub3A_149 : i32
        %select_n3A_151 = arith.select %and3A_148, %sub3A_150, %div3A_129 : i32
        %jit3A_152 = arith.constant 8 : i32
        %eq3A_153 = arith.constant 0 : i32
        %eq3A_154 = arith.cmpi eq, %jit3A_152, %eq3A_153 : i32
        %jit3A_155 = arith.constant 1 : i32
        %select_n3A_156 = arith.select %eq3A_154, %jit3A_155, %jit3A_152 : i32
        %rem3A_157 = arith.remsi %add3A_127, %select_n3A_156 : i32
        %ne3A_158 = arith.constant 0 : i32
        %ne3A_159 = arith.cmpi ne, %rem3A_157, %ne3A_158 : i32
        %lt3A_160 = arith.constant 0 : i32
        %lt3A_161 = arith.cmpi slt, %rem3A_157, %lt3A_160 : i32
        %lt3A_162 = arith.constant 0 : i32
        %lt3A_163 = arith.cmpi slt, %select_n3A_156, %lt3A_162 : i32
        %ne3A_164 = arith.xori %lt3A_161, %lt3A_163 : i1
        %and3A_165 = arith.andi %ne3A_164, %ne3A_159 : i1
        %add3A_166 = arith.addi %rem3A_157, %select_n3A_156 : i32
        %select_n3A_167 = arith.select %and3A_165, %add3A_166, %rem3A_157 : i32
        %dma_start3A_168 = arith.constant 0 : i32
        %dma_start3A_169 = tpu.memref_slice %arg2[%select_n3A_151, %select_n3A_167, %dma_start3A_168] : memref<25x8x16384xi32, #tpu.memory_space<hbm>> -> memref<1x1x16384xi32, #tpu.memory_space<hbm>>
        %dma_start3A_170 = tpu.memref_squeeze %dma_start3A_169 : memref<1x1x16384xi32, #tpu.memory_space<hbm>> -> memref<16384xi32, #tpu.memory_space<hbm>>
        %dma_start3A_171 = arith.constant 0 : i32
        %dma_start3A_172 = tpu.memref_slice %arg2[%select_n3A_151, %select_n3A_167, %dma_start3A_171] : memref<25x8x16384xi32, #tpu.memory_space<hbm>> -> memref<1x1x16384xi32, #tpu.memory_space<hbm>>
        %dma_start3A_173 = tpu.memref_squeeze %dma_start3A_172 : memref<1x1x16384xi32, #tpu.memory_space<hbm>> -> memref<16384xi32, #tpu.memory_space<hbm>>
        tpu.enqueue_dma source(%dma_start3A_173 : memref<16384xi32, #tpu.memory_space<hbm>>) target(%arg6 : memref<16384xi32, #tpu.memory_space<vmem>>) target_semaphore(%arg10 : memref<!tpu.dma_semaphore, #tpu.memory_space<semaphore_mem>>)
      } else {
      }
      %scan3A = arith.constant 0 : i32
      %scan3A_115 = arith.constant 0 : i32
      %scan3A_116 = arith.constant 128 : i32
      %scan3A_117 = arith.addi %scan3A_115, %scan3A_116 : i32
      %scan3A_118 = arith.constant 1 : i32
      %scan3A_119 = scf.for %scan3A_126 = %scan3A_115 to %scan3A_117 step %scan3A_118 iter_args(%scan3A_127 = %scan3A) -> (i32)  : i32 {
        %mul3A_128 = arith.constant 128 : i32
        %mul3A_129 = arith.muli %scan3A_126, %mul3A_128 : i32
        %add3A_130 = arith.constant 0 : i32
        %add3A_131 = arith.addi %mul3A_129, %add3A_130 : i32
        %get3A_132 = arith.index_cast %add3A_131 : i32 to index
        %get3A_133 = tpu.vector_load %arg7[%get3A_132] {strides = array<i32>} : memref<16384xi32, #tpu.memory_space<vmem>>, vector<16xi32>,
        %get3A_134 = vector.shape_cast %get3A_133 : vector<16xi32> to vector<16xi32>
        %broadcast_in_dim3A = vector.shape_cast %get3A_134 : vector<16xi32> to vector<16x1xi32>
        %gather3A = vector.shape_cast %broadcast_in_dim3A : vector<16x1xi32> to vector<16xi32>
        %gather3A_135 = tpu.dynamic_gather %get3A_2[%gather3A] in [0] : vector<16xf32>, vector<16xi32> -> vector<16xf32>
        %swap3A = arith.index_cast %add3A_131 : i32 to index
        %swap3A_136 = tpu.vector_load %arg9[%swap3A] {strides = array<i32>} : memref<16384xf32, #tpu.memory_space<vmem>>, vector<16xf32>,
        %swap3A_137 = vector.shape_cast %swap3A_136 : vector<16xf32> to vector<16xf32>
        %swap3A_138 = vector.shape_cast %gather3A_135 : vector<16xf32> to vector<16xf32>
        tpu.vector_store %arg9[%swap3A], %swap3A_138 {strides = array<i32>} : memref<16384xf32, #tpu.memory_space<vmem>>, vector<16xf32>,
        %mul3A_139 = arith.constant 128 : i32
        %mul3A_140 = arith.muli %scan3A_126, %mul3A_139 : i32
        %add3A_141 = arith.constant 16 : i32
        %add3A_142 = arith.addi %mul3A_140, %add3A_141 : i32
        %get3A_143 = arith.index_cast %add3A_142 : i32 to index
        %get3A_144 = tpu.vector_load %arg7[%get3A_143] {strides = array<i32>} : memref<16384xi32, #tpu.memory_space<vmem>>, vector<16xi32>,
        %get3A_145 = vector.shape_cast %get3A_144 : vector<16xi32> to vector<16xi32>
        %broadcast_in_dim3A_146 = vector.shape_cast %get3A_145 : vector<16xi32> to vector<16x1xi32>
        %gather3A_147 = vector.shape_cast %broadcast_in_dim3A_146 : vector<16x1xi32> to vector<16xi32>
        %gather3A_148 = tpu.dynamic_gather %get3A_2[%gather3A_147] in [0] : vector<16xf32>, vector<16xi32> -> vector<16xf32>
        %swap3A_149 = arith.index_cast %add3A_142 : i32 to index
        %swap3A_150 = tpu.vector_load %arg9[%swap3A_149] {strides = array<i32>} : memref<16384xf32, #tpu.memory_space<vmem>>, vector<16xf32>,
        %swap3A_151 = vector.shape_cast %swap3A_150 : vector<16xf32> to vector<16xf32>
        %swap3A_152 = vector.shape_cast %gather3A_148 : vector<16xf32> to vector<16xf32>
        tpu.vector_store %arg9[%swap3A_149], %swap3A_152 {strides = array<i32>} : memref<16384xf32, #tpu.memory_space<vmem>>, vector<16xf32>,
        %mul3A_153 = arith.constant 128 : i32
        %mul3A_154 = arith.muli %scan3A_126, %mul3A_153 : i32
        %add3A_155 = arith.constant 32 : i32
        %add3A_156 = arith.addi %mul3A_154, %add3A_155 : i32
        %get3A_157 = arith.index_cast %add3A_156 : i32 to index
        %get3A_158 = tpu.vector_load %arg7[%get3A_157] {strides = array<i32>} : memref<16384xi32, #tpu.memory_space<vmem>>, vector<16xi32>,
        %get3A_159 = vector.shape_cast %get3A_158 : vector<16xi32> to vector<16xi32>
        %broadcast_in_dim3A_160 = vector.shape_cast %get3A_159 : vector<16xi32> to vector<16x1xi32>
        %gather3A_161 = vector.shape_cast %broadcast_in_dim3A_160 : vector<16x1xi32> to vector<16xi32>
        %gather3A_162 = tpu.dynamic_gather %get3A_2[%gather3A_161] in [0] : vector<16xf32>, vector<16xi32> -> vector<16xf32>
        %swap3A_163 = arith.index_cast %add3A_156 : i32 to index
        %swap3A_164 = tpu.vector_load %arg9[%swap3A_163] {strides = array<i32>} : memref<16384xf32, #tpu.memory_space<vmem>>, vector<16xf32>,
        %swap3A_165 = vector.shape_cast %swap3A_164 : vector<16xf32> to vector<16xf32>
        %swap3A_166 = vector.shape_cast %gather3A_162 : vector<16xf32> to vector<16xf32>
        tpu.vector_store %arg9[%swap3A_163], %swap3A_166 {strides = array<i32>} : memref<16384xf32, #tpu.memory_space<vmem>>, vector<16xf32>,
        %mul3A_167 = arith.constant 128 : i32
        %mul3A_168 = arith.muli %scan3A_126, %mul3A_167 : i32
        %add3A_169 = arith.constant 48 : i32
        %add3A_170 = arith.addi %mul3A_168, %add3A_169 : i32
        %get3A_171 = arith.index_cast %add3A_170 : i32 to index
        %get3A_172 = tpu.vector_load %arg7[%get3A_171] {strides = array<i32>} : memref<16384xi32, #tpu.memory_space<vmem>>, vector<16xi32>,
        %get3A_173 = vector.shape_cast %get3A_172 : vector<16xi32> to vector<16xi32>
        %broadcast_in_dim3A_174 = vector.shape_cast %get3A_173 : vector<16xi32> to vector<16x1xi32>
        %gather3A_175 = vector.shape_cast %broadcast_in_dim3A_174 : vector<16x1xi32> to vector<16xi32>
        %gather3A_176 = tpu.dynamic_gather %get3A_2[%gather3A_175] in [0] : vector<16xf32>, vector<16xi32> -> vector<16xf32>
        %swap3A_177 = arith.index_cast %add3A_170 : i32 to index
        %swap3A_178 = tpu.vector_load %arg9[%swap3A_177] {strides = array<i32>} : memref<16384xf32, #tpu.memory_space<vmem>>, vector<16xf32>,
        %swap3A_179 = vector.shape_cast %swap3A_178 : vector<16xf32> to vector<16xf32>
        %swap3A_180 = vector.shape_cast %gather3A_176 : vector<16xf32> to vector<16xf32>
        tpu.vector_store %arg9[%swap3A_177], %swap3A_180 {strides = array<i32>} : memref<16384xf32, #tpu.memory_space<vmem>>, vector<16xf32>,
        %mul3A_181 = arith.constant 128 : i32
        %mul3A_182 = arith.muli %scan3A_126, %mul3A_181 : i32
        %add3A_183 = arith.constant 64 : i32
        %add3A_184 = arith.addi %mul3A_182, %add3A_183 : i32
        %get3A_185 = arith.index_cast %add3A_184 : i32 to index
        %get3A_186 = tpu.vector_load %arg7[%get3A_185] {strides = array<i32>} : memref<16384xi32, #tpu.memory_space<vmem>>, vector<16xi32>,
        %get3A_187 = vector.shape_cast %get3A_186 : vector<16xi32> to vector<16xi32>
        %broadcast_in_dim3A_188 = vector.shape_cast %get3A_187 : vector<16xi32> to vector<16x1xi32>
        %gather3A_189 = vector.shape_cast %broadcast_in_dim3A_188 : vector<16x1xi32> to vector<16xi32>
        %gather3A_190 = tpu.dynamic_gather %get3A_2[%gather3A_189] in [0] : vector<16xf32>, vector<16xi32> -> vector<16xf32>
        %swap3A_191 = arith.index_cast %add3A_184 : i32 to index
        %swap3A_192 = tpu.vector_load %arg9[%swap3A_191] {strides = array<i32>} : memref<16384xf32, #tpu.memory_space<vmem>>, vector<16xf32>,
        %swap3A_193 = vector.shape_cast %swap3A_192 : vector<16xf32> to vector<16xf32>
        %swap3A_194 = vector.shape_cast %gather3A_190 : vector<16xf32> to vector<16xf32>
        tpu.vector_store %arg9[%swap3A_191], %swap3A_194 {strides = array<i32>} : memref<16384xf32, #tpu.memory_space<vmem>>, vector<16xf32>,
        %mul3A_195 = arith.constant 128 : i32
        %mul3A_196 = arith.muli %scan3A_126, %mul3A_195 : i32
        %add3A_197 = arith.constant 80 : i32
        %add3A_198 = arith.addi %mul3A_196, %add3A_197 : i32
        %get3A_199 = arith.index_cast %add3A_198 : i32 to index
        %get3A_200 = tpu.vector_load %arg7[%get3A_199] {strides = array<i32>} : memref<16384xi32, #tpu.memory_space<vmem>>, vector<16xi32>,
        %get3A_201 = vector.shape_cast %get3A_200 : vector<16xi32> to vector<16xi32>
        %broadcast_in_dim3A_202 = vector.shape_cast %get3A_201 : vector<16xi32> to vector<16x1xi32>
        %gather3A_203 = vector.shape_cast %broadcast_in_dim3A_202 : vector<16x1xi32> to vector<16xi32>
        %gather3A_204 = tpu.dynamic_gather %get3A_2[%gather3A_203] in [0] : vector<16xf32>, vector<16xi32> -> vector<16xf32>
        %swap3A_205 = arith.index_cast %add3A_198 : i32 to index
        %swap3A_206 = tpu.vector_load %arg9[%swap3A_205] {strides = array<i32>} : memref<16384xf32, #tpu.memory_space<vmem>>, vector<16xf32>,
        %swap3A_207 = vector.shape_cast %swap3A_206 : vector<16xf32> to vector<16xf32>
        %swap3A_208 = vector.shape_cast %gather3A_204 : vector<16xf32> to vector<16xf32>
        tpu.vector_store %arg9[%swap3A_205], %swap3A_208 {strides = array<i32>} : memref<16384xf32, #tpu.memory_space<vmem>>, vector<16xf32>,
        %mul3A_209 = arith.constant 128 : i32
        %mul3A_210 = arith.muli %scan3A_126, %mul3A_209 : i32
        %add3A_211 = arith.constant 96 : i32
        %add3A_212 = arith.addi %mul3A_210, %add3A_211 : i32
        %get3A_213 = arith.index_cast %add3A_212 : i32 to index
        %get3A_214 = tpu.vector_load %arg7[%get3A_213] {strides = array<i32>} : memref<16384xi32, #tpu.memory_space<vmem>>, vector<16xi32>,
        %get3A_215 = vector.shape_cast %get3A_214 : vector<16xi32> to vector<16xi32>
        %broadcast_in_dim3A_216 = vector.shape_cast %get3A_215 : vector<16xi32> to vector<16x1xi32>
        %gather3A_217 = vector.shape_cast %broadcast_in_dim3A_216 : vector<16x1xi32> to vector<16xi32>
        %gather3A_218 = tpu.dynamic_gather %get3A_2[%gather3A_217] in [0] : vector<16xf32>, vector<16xi32> -> vector<16xf32>
        %swap3A_219 = arith.index_cast %add3A_212 : i32 to index
        %swap3A_220 = tpu.vector_load %arg9[%swap3A_219] {strides = array<i32>} : memref<16384xf32, #tpu.memory_space<vmem>>, vector<16xf32>,
        %swap3A_221 = vector.shape_cast %swap3A_220 : vector<16xf32> to vector<16xf32>
        %swap3A_222 = vector.shape_cast %gather3A_218 : vector<16xf32> to vector<16xf32>
        tpu.vector_store %arg9[%swap3A_219], %swap3A_222 {strides = array<i32>} : memref<16384xf32, #tpu.memory_space<vmem>>, vector<16xf32>,
        %mul3A_223 = arith.constant 128 : i32
        %mul3A_224 = arith.muli %scan3A_126, %mul3A_223 : i32
        %add3A_225 = arith.constant 112 : i32
        %add3A_226 = arith.addi %mul3A_224, %add3A_225 : i32
        %get3A_227 = arith.index_cast %add3A_226 : i32 to index
        %get3A_228 = tpu.vector_load %arg7[%get3A_227] {strides = array<i32>} : memref<16384xi32, #tpu.memory_space<vmem>>, vector<16xi32>,
        %get3A_229 = vector.shape_cast %get3A_228 : vector<16xi32> to vector<16xi32>
        %broadcast_in_dim3A_230 = vector.shape_cast %get3A_229 : vector<16xi32> to vector<16x1xi32>
        %gather3A_231 = vector.shape_cast %broadcast_in_dim3A_230 : vector<16x1xi32> to vector<16xi32>
        %gather3A_232 = tpu.dynamic_gather %get3A_2[%gather3A_231] in [0] : vector<16xf32>, vector<16xi32> -> vector<16xf32>
        %swap3A_233 = arith.index_cast %add3A_226 : i32 to index
        %swap3A_234 = tpu.vector_load %arg9[%swap3A_233] {strides = array<i32>} : memref<16384xf32, #tpu.memory_space<vmem>>, vector<16xf32>,
        %swap3A_235 = vector.shape_cast %swap3A_234 : vector<16xf32> to vector<16xf32>
        %swap3A_236 = vector.shape_cast %gather3A_232 : vector<16xf32> to vector<16xf32>
        tpu.vector_store %arg9[%swap3A_233], %swap3A_236 {strides = array<i32>} : memref<16384xf32, #tpu.memory_space<vmem>>, vector<16xf32>,
        %scan3A_237 = arith.constant 0 : i32
        scf.yield %scan3A_237 : i32
      }
      %scan3A_120 = arith.constant 128 : i32
      %add3A_121 = arith.constant 32 : i32
      %add3A_122 = arith.addi %add3A, %add3A_121 : i32
      %mul3A_123 = arith.constant 16384 : i32
      %mul3A_124 = arith.muli %add3A_122, %mul3A_123 : i32
      %dma_start3A = tpu.memref_slice %arg4[%mul3A_124] : memref<3276800xf32, #tpu.memory_space<hbm>> -> memref<16384xf32, #tpu.memory_space<hbm>>
      %dma_start3A_125 = tpu.memref_slice %arg4[%mul3A_124] : memref<3276800xf32, #tpu.memory_space<hbm>> -> memref<16384xf32, #tpu.memory_space<hbm>>
      tpu.enqueue_dma source(%arg9 : memref<16384xf32, #tpu.memory_space<vmem>>) target(%dma_start3A_125 : memref<16384xf32, #tpu.memory_space<hbm>>) target_semaphore(%arg13 : memref<!tpu.dma_semaphore, #tpu.memory_space<semaphore_mem>>)
    } else {
    }
    %add3A_21 = arith.constant 64 : i32
    %add3A_22 = arith.addi %add3A, %add3A_21 : i32
    %lt3A_23 = arith.constant 200 : i32
    %lt3A_24 = arith.cmpi slt, %add3A_22, %lt3A_23 : i32
    %convert_element_type3A_25 = arith.extui %lt3A_24 : i1 to i32
    %cond3A_26 = arith.constant 0 : i32
    %cond3A_27 = arith.cmpi ne, %convert_element_type3A_25, %cond3A_26 : i32
    scf.if %cond3A_27 {
      %add3A_70 = arith.constant 64 : i32
      %add3A_71 = arith.addi %add3A, %add3A_70 : i32
      %jit3A = arith.constant 8 : i32
      %div3A = arith.divsi %add3A_71, %jit3A : i32
      %sign3A = arith.constant 0 : i32
      %sign3A_72 = arith.cmpi sgt, %add3A_71, %sign3A : i32
      %sign3A_73 = arith.extui %sign3A_72 : i1 to i32
      %sign3A_74 = arith.constant 0 : i32
      %sign3A_75 = arith.cmpi slt, %add3A_71, %sign3A_74 : i32
      %sign3A_76 = arith.extui %sign3A_75 : i1 to i32
      %sign3A_77 = arith.subi %sign3A_73, %sign3A_76 : i32
      %sign3A_78 = arith.constant 0 : i32
      %sign3A_79 = arith.cmpi sgt, %jit3A, %sign3A_78 : i32
      %sign3A_80 = arith.extui %sign3A_79 : i1 to i32
      %sign3A_81 = arith.constant 0 : i32
      %sign3A_82 = arith.cmpi slt, %jit3A, %sign3A_81 : i32
      %sign3A_83 = arith.extui %sign3A_82 : i1 to i32
      %sign3A_84 = arith.subi %sign3A_80, %sign3A_83 : i32
      %ne3A = arith.cmpi ne, %sign3A_77, %sign3A_84 : i32
      %rem3A = arith.remsi %add3A_71, %jit3A : i32
      %ne3A_85 = arith.constant 0 : i32
      %ne3A_86 = arith.cmpi ne, %rem3A, %ne3A_85 : i32
      %and3A = arith.andi %ne3A, %ne3A_86 : i1
      %sub3A = arith.constant 1 : i32
      %sub3A_87 = arith.subi %div3A, %sub3A : i32
      %select_n3A = arith.select %and3A, %sub3A_87, %div3A : i32
      %jit3A_88 = arith.constant 8 : i32
      %eq3A = arith.constant 0 : i32
      %eq3A_89 = arith.cmpi eq, %jit3A_88, %eq3A : i32
      %jit3A_90 = arith.constant 1 : i32
      %select_n3A_91 = arith.select %eq3A_89, %jit3A_90, %jit3A_88 : i32
      %rem3A_92 = arith.remsi %add3A_71, %select_n3A_91 : i32
      %ne3A_93 = arith.constant 0 : i32
      %ne3A_94 = arith.cmpi ne, %rem3A_92, %ne3A_93 : i32
      %lt3A_95 = arith.constant 0 : i32
      %lt3A_96 = arith.cmpi slt, %rem3A_92, %lt3A_95 : i32
      %lt3A_97 = arith.constant 0 : i32
      %lt3A_98 = arith.cmpi slt, %select_n3A_91, %lt3A_97 : i32
      %ne3A_99 = arith.xori %lt3A_96, %lt3A_98 : i1
      %and3A_100 = arith.andi %ne3A_99, %ne3A_94 : i1
      %add3A_101 = arith.addi %rem3A_92, %select_n3A_91 : i32
      %select_n3A_102 = arith.select %and3A_100, %add3A_101, %rem3A_92 : i32
      %dma_wait3A = arith.constant 0 : i32
      %dma_wait3A_103 = tpu.memref_slice %arg2[%select_n3A, %select_n3A_102, %dma_wait3A] : memref<25x8x16384xi32, #tpu.memory_space<hbm>> -> memref<1x1x16384xi32, #tpu.memory_space<hbm>>
      %dma_wait3A_104 = tpu.memref_squeeze %dma_wait3A_103 : memref<1x1x16384xi32, #tpu.memory_space<hbm>> -> memref<16384xi32, #tpu.memory_space<hbm>>
      %dma_wait3A_105 = arith.constant 0 : i32
      %dma_wait3A_106 = tpu.memref_slice %arg2[%select_n3A, %select_n3A_102, %dma_wait3A_105] : memref<25x8x16384xi32, #tpu.memory_space<hbm>> -> memref<1x1x16384xi32, #tpu.memory_space<hbm>>
      %dma_wait3A_107 = tpu.memref_squeeze %dma_wait3A_106 : memref<1x1x16384xi32, #tpu.memory_space<hbm>> -> memref<16384xi32, #tpu.memory_space<hbm>>
      tpu.wait_dma2 semaphore(%arg10 : memref<!tpu.dma_semaphore, #tpu.memory_space<semaphore_mem>>) src(%dma_wait3A_107 : memref<16384xi32, #tpu.memory_space<hbm>>) dst(%arg6 : memref<16384xi32, #tpu.memory_space<vmem>>)
      %add3A_108 = arith.constant 96 : i32
      %add3A_109 = arith.addi %add3A, %add3A_108 : i32
      %lt3A_110 = arith.constant 200 : i32
      %lt3A_111 = arith.cmpi slt, %add3A_109, %lt3A_110 : i32
      %convert_element_type3A_112 = arith.extui %lt3A_111 : i1 to i32
      %cond3A_113 = arith.constant 0 : i32
      %cond3A_114 = arith.cmpi ne, %convert_element_type3A_112, %cond3A_113 : i32
      scf.if %cond3A_114 {
        %add3A_132 = arith.constant 96 : i32
        %add3A_133 = arith.addi %add3A, %add3A_132 : i32
        %jit3A_134 = arith.constant 8 : i32
        %div3A_135 = arith.divsi %add3A_133, %jit3A_134 : i32
        %sign3A_136 = arith.constant 0 : i32
        %sign3A_137 = arith.cmpi sgt, %add3A_133, %sign3A_136 : i32
        %sign3A_138 = arith.extui %sign3A_137 : i1 to i32
        %sign3A_139 = arith.constant 0 : i32
        %sign3A_140 = arith.cmpi slt, %add3A_133, %sign3A_139 : i32
        %sign3A_141 = arith.extui %sign3A_140 : i1 to i32
        %sign3A_142 = arith.subi %sign3A_138, %sign3A_141 : i32
        %sign3A_143 = arith.constant 0 : i32
        %sign3A_144 = arith.cmpi sgt, %jit3A_134, %sign3A_143 : i32
        %sign3A_145 = arith.extui %sign3A_144 : i1 to i32
        %sign3A_146 = arith.constant 0 : i32
        %sign3A_147 = arith.cmpi slt, %jit3A_134, %sign3A_146 : i32
        %sign3A_148 = arith.extui %sign3A_147 : i1 to i32
        %sign3A_149 = arith.subi %sign3A_145, %sign3A_148 : i32
        %ne3A_150 = arith.cmpi ne, %sign3A_142, %sign3A_149 : i32
        %rem3A_151 = arith.remsi %add3A_133, %jit3A_134 : i32
        %ne3A_152 = arith.constant 0 : i32
        %ne3A_153 = arith.cmpi ne, %rem3A_151, %ne3A_152 : i32
        %and3A_154 = arith.andi %ne3A_150, %ne3A_153 : i1
        %sub3A_155 = arith.constant 1 : i32
        %sub3A_156 = arith.subi %div3A_135, %sub3A_155 : i32
        %select_n3A_157 = arith.select %and3A_154, %sub3A_156, %div3A_135 : i32
        %jit3A_158 = arith.constant 8 : i32
        %eq3A_159 = arith.constant 0 : i32
        %eq3A_160 = arith.cmpi eq, %jit3A_158, %eq3A_159 : i32
        %jit3A_161 = arith.constant 1 : i32
        %select_n3A_162 = arith.select %eq3A_160, %jit3A_161, %jit3A_158 : i32
        %rem3A_163 = arith.remsi %add3A_133, %select_n3A_162 : i32
        %ne3A_164 = arith.constant 0 : i32
        %ne3A_165 = arith.cmpi ne, %rem3A_163, %ne3A_164 : i32
        %lt3A_166 = arith.constant 0 : i32
        %lt3A_167 = arith.cmpi slt, %rem3A_163, %lt3A_166 : i32
        %lt3A_168 = arith.constant 0 : i32
        %lt3A_169 = arith.cmpi slt, %select_n3A_162, %lt3A_168 : i32
        %ne3A_170 = arith.xori %lt3A_167, %lt3A_169 : i1
        %and3A_171 = arith.andi %ne3A_170, %ne3A_165 : i1
        %add3A_172 = arith.addi %rem3A_163, %select_n3A_162 : i32
        %select_n3A_173 = arith.select %and3A_171, %add3A_172, %rem3A_163 : i32
        %dma_start3A_174 = arith.constant 0 : i32
        %dma_start3A_175 = tpu.memref_slice %arg2[%select_n3A_157, %select_n3A_173, %dma_start3A_174] : memref<25x8x16384xi32, #tpu.memory_space<hbm>> -> memref<1x1x16384xi32, #tpu.memory_space<hbm>>
        %dma_start3A_176 = tpu.memref_squeeze %dma_start3A_175 : memref<1x1x16384xi32, #tpu.memory_space<hbm>> -> memref<16384xi32, #tpu.memory_space<hbm>>
        %dma_start3A_177 = arith.constant 0 : i32
        %dma_start3A_178 = tpu.memref_slice %arg2[%select_n3A_157, %select_n3A_173, %dma_start3A_177] : memref<25x8x16384xi32, #tpu.memory_space<hbm>> -> memref<1x1x16384xi32, #tpu.memory_space<hbm>>
        %dma_start3A_179 = tpu.memref_squeeze %dma_start3A_178 : memref<1x1x16384xi32, #tpu.memory_space<hbm>> -> memref<16384xi32, #tpu.memory_space<hbm>>
        tpu.enqueue_dma source(%dma_start3A_179 : memref<16384xi32, #tpu.memory_space<hbm>>) target(%arg7 : memref<16384xi32, #tpu.memory_space<vmem>>) target_semaphore(%arg11 : memref<!tpu.dma_semaphore, #tpu.memory_space<semaphore_mem>>)
      } else {
      }
      %add3A_115 = arith.constant 0 : i32
      %add3A_116 = arith.addi %add3A, %add3A_115 : i32
      %mul3A_117 = arith.constant 16384 : i32
      %mul3A_118 = arith.muli %add3A_116, %mul3A_117 : i32
      %dma_wait3A_119 = tpu.memref_slice %arg4[%mul3A_118] : memref<3276800xf32, #tpu.memory_space<hbm>> -> memref<16384xf32, #tpu.memory_space<hbm>>
      %dma_wait3A_120 = tpu.memref_slice %arg4[%mul3A_118] : memref<3276800xf32, #tpu.memory_space<hbm>> -> memref<16384xf32, #tpu.memory_space<hbm>>
      tpu.wait_dma2 semaphore(%arg12 : memref<!tpu.dma_semaphore, #tpu.memory_space<semaphore_mem>>) src(%arg8 : memref<16384xf32, #tpu.memory_space<vmem>>) dst(%dma_wait3A_120 : memref<16384xf32, #tpu.memory_space<hbm>>)
      %scan3A = arith.constant 0 : i32
      %scan3A_121 = arith.constant 0 : i32
      %scan3A_122 = arith.constant 128 : i32
      %scan3A_123 = arith.addi %scan3A_121, %scan3A_122 : i32
      %scan3A_124 = arith.constant 1 : i32
      %scan3A_125 = scf.for %scan3A_132 = %scan3A_121 to %scan3A_123 step %scan3A_124 iter_args(%scan3A_133 = %scan3A) -> (i32)  : i32 {
        %mul3A_134 = arith.constant 128 : i32
        %mul3A_135 = arith.muli %scan3A_132, %mul3A_134 : i32
        %add3A_136 = arith.constant 0 : i32
        %add3A_137 = arith.addi %mul3A_135, %add3A_136 : i32
        %get3A_138 = arith.index_cast %add3A_137 : i32 to index
        %get3A_139 = tpu.vector_load %arg6[%get3A_138] {strides = array<i32>} : memref<16384xi32, #tpu.memory_space<vmem>>, vector<16xi32>,
        %get3A_140 = vector.shape_cast %get3A_139 : vector<16xi32> to vector<16xi32>
        %broadcast_in_dim3A = vector.shape_cast %get3A_140 : vector<16xi32> to vector<16x1xi32>
        %gather3A = vector.shape_cast %broadcast_in_dim3A : vector<16x1xi32> to vector<16xi32>
        %gather3A_141 = tpu.dynamic_gather %get3A_2[%gather3A] in [0] : vector<16xf32>, vector<16xi32> -> vector<16xf32>
        %swap3A = arith.index_cast %add3A_137 : i32 to index
        %swap3A_142 = tpu.vector_load %arg8[%swap3A] {strides = array<i32>} : memref<16384xf32, #tpu.memory_space<vmem>>, vector<16xf32>,
        %swap3A_143 = vector.shape_cast %swap3A_142 : vector<16xf32> to vector<16xf32>
        %swap3A_144 = vector.shape_cast %gather3A_141 : vector<16xf32> to vector<16xf32>
        tpu.vector_store %arg8[%swap3A], %swap3A_144 {strides = array<i32>} : memref<16384xf32, #tpu.memory_space<vmem>>, vector<16xf32>,
        %mul3A_145 = arith.constant 128 : i32
        %mul3A_146 = arith.muli %scan3A_132, %mul3A_145 : i32
        %add3A_147 = arith.constant 16 : i32
        %add3A_148 = arith.addi %mul3A_146, %add3A_147 : i32
        %get3A_149 = arith.index_cast %add3A_148 : i32 to index
        %get3A_150 = tpu.vector_load %arg6[%get3A_149] {strides = array<i32>} : memref<16384xi32, #tpu.memory_space<vmem>>, vector<16xi32>,
        %get3A_151 = vector.shape_cast %get3A_150 : vector<16xi32> to vector<16xi32>
        %broadcast_in_dim3A_152 = vector.shape_cast %get3A_151 : vector<16xi32> to vector<16x1xi32>
        %gather3A_153 = vector.shape_cast %broadcast_in_dim3A_152 : vector<16x1xi32> to vector<16xi32>
        %gather3A_154 = tpu.dynamic_gather %get3A_2[%gather3A_153] in [0] : vector<16xf32>, vector<16xi32> -> vector<16xf32>
        %swap3A_155 = arith.index_cast %add3A_148 : i32 to index
        %swap3A_156 = tpu.vector_load %arg8[%swap3A_155] {strides = array<i32>} : memref<16384xf32, #tpu.memory_space<vmem>>, vector<16xf32>,
        %swap3A_157 = vector.shape_cast %swap3A_156 : vector<16xf32> to vector<16xf32>
        %swap3A_158 = vector.shape_cast %gather3A_154 : vector<16xf32> to vector<16xf32>
        tpu.vector_store %arg8[%swap3A_155], %swap3A_158 {strides = array<i32>} : memref<16384xf32, #tpu.memory_space<vmem>>, vector<16xf32>,
        %mul3A_159 = arith.constant 128 : i32
        %mul3A_160 = arith.muli %scan3A_132, %mul3A_159 : i32
        %add3A_161 = arith.constant 32 : i32
        %add3A_162 = arith.addi %mul3A_160, %add3A_161 : i32
        %get3A_163 = arith.index_cast %add3A_162 : i32 to index
        %get3A_164 = tpu.vector_load %arg6[%get3A_163] {strides = array<i32>} : memref<16384xi32, #tpu.memory_space<vmem>>, vector<16xi32>,
        %get3A_165 = vector.shape_cast %get3A_164 : vector<16xi32> to vector<16xi32>
        %broadcast_in_dim3A_166 = vector.shape_cast %get3A_165 : vector<16xi32> to vector<16x1xi32>
        %gather3A_167 = vector.shape_cast %broadcast_in_dim3A_166 : vector<16x1xi32> to vector<16xi32>
        %gather3A_168 = tpu.dynamic_gather %get3A_2[%gather3A_167] in [0] : vector<16xf32>, vector<16xi32> -> vector<16xf32>
        %swap3A_169 = arith.index_cast %add3A_162 : i32 to index
        %swap3A_170 = tpu.vector_load %arg8[%swap3A_169] {strides = array<i32>} : memref<16384xf32, #tpu.memory_space<vmem>>, vector<16xf32>,
        %swap3A_171 = vector.shape_cast %swap3A_170 : vector<16xf32> to vector<16xf32>
        %swap3A_172 = vector.shape_cast %gather3A_168 : vector<16xf32> to vector<16xf32>
        tpu.vector_store %arg8[%swap3A_169], %swap3A_172 {strides = array<i32>} : memref<16384xf32, #tpu.memory_space<vmem>>, vector<16xf32>,
        %mul3A_173 = arith.constant 128 : i32
        %mul3A_174 = arith.muli %scan3A_132, %mul3A_173 : i32
        %add3A_175 = arith.constant 48 : i32
        %add3A_176 = arith.addi %mul3A_174, %add3A_175 : i32
        %get3A_177 = arith.index_cast %add3A_176 : i32 to index
        %get3A_178 = tpu.vector_load %arg6[%get3A_177] {strides = array<i32>} : memref<16384xi32, #tpu.memory_space<vmem>>, vector<16xi32>,
        %get3A_179 = vector.shape_cast %get3A_178 : vector<16xi32> to vector<16xi32>
        %broadcast_in_dim3A_180 = vector.shape_cast %get3A_179 : vector<16xi32> to vector<16x1xi32>
        %gather3A_181 = vector.shape_cast %broadcast_in_dim3A_180 : vector<16x1xi32> to vector<16xi32>
        %gather3A_182 = tpu.dynamic_gather %get3A_2[%gather3A_181] in [0] : vector<16xf32>, vector<16xi32> -> vector<16xf32>
        %swap3A_183 = arith.index_cast %add3A_176 : i32 to index
        %swap3A_184 = tpu.vector_load %arg8[%swap3A_183] {strides = array<i32>} : memref<16384xf32, #tpu.memory_space<vmem>>, vector<16xf32>,
        %swap3A_185 = vector.shape_cast %swap3A_184 : vector<16xf32> to vector<16xf32>
        %swap3A_186 = vector.shape_cast %gather3A_182 : vector<16xf32> to vector<16xf32>
        tpu.vector_store %arg8[%swap3A_183], %swap3A_186 {strides = array<i32>} : memref<16384xf32, #tpu.memory_space<vmem>>, vector<16xf32>,
        %mul3A_187 = arith.constant 128 : i32
        %mul3A_188 = arith.muli %scan3A_132, %mul3A_187 : i32
        %add3A_189 = arith.constant 64 : i32
        %add3A_190 = arith.addi %mul3A_188, %add3A_189 : i32
        %get3A_191 = arith.index_cast %add3A_190 : i32 to index
        %get3A_192 = tpu.vector_load %arg6[%get3A_191] {strides = array<i32>} : memref<16384xi32, #tpu.memory_space<vmem>>, vector<16xi32>,
        %get3A_193 = vector.shape_cast %get3A_192 : vector<16xi32> to vector<16xi32>
        %broadcast_in_dim3A_194 = vector.shape_cast %get3A_193 : vector<16xi32> to vector<16x1xi32>
        %gather3A_195 = vector.shape_cast %broadcast_in_dim3A_194 : vector<16x1xi32> to vector<16xi32>
        %gather3A_196 = tpu.dynamic_gather %get3A_2[%gather3A_195] in [0] : vector<16xf32>, vector<16xi32> -> vector<16xf32>
        %swap3A_197 = arith.index_cast %add3A_190 : i32 to index
        %swap3A_198 = tpu.vector_load %arg8[%swap3A_197] {strides = array<i32>} : memref<16384xf32, #tpu.memory_space<vmem>>, vector<16xf32>,
        %swap3A_199 = vector.shape_cast %swap3A_198 : vector<16xf32> to vector<16xf32>
        %swap3A_200 = vector.shape_cast %gather3A_196 : vector<16xf32> to vector<16xf32>
        tpu.vector_store %arg8[%swap3A_197], %swap3A_200 {strides = array<i32>} : memref<16384xf32, #tpu.memory_space<vmem>>, vector<16xf32>,
        %mul3A_201 = arith.constant 128 : i32
        %mul3A_202 = arith.muli %scan3A_132, %mul3A_201 : i32
        %add3A_203 = arith.constant 80 : i32
        %add3A_204 = arith.addi %mul3A_202, %add3A_203 : i32
        %get3A_205 = arith.index_cast %add3A_204 : i32 to index
        %get3A_206 = tpu.vector_load %arg6[%get3A_205] {strides = array<i32>} : memref<16384xi32, #tpu.memory_space<vmem>>, vector<16xi32>,
        %get3A_207 = vector.shape_cast %get3A_206 : vector<16xi32> to vector<16xi32>
        %broadcast_in_dim3A_208 = vector.shape_cast %get3A_207 : vector<16xi32> to vector<16x1xi32>
        %gather3A_209 = vector.shape_cast %broadcast_in_dim3A_208 : vector<16x1xi32> to vector<16xi32>
        %gather3A_210 = tpu.dynamic_gather %get3A_2[%gather3A_209] in [0] : vector<16xf32>, vector<16xi32> -> vector<16xf32>
        %swap3A_211 = arith.index_cast %add3A_204 : i32 to index
        %swap3A_212 = tpu.vector_load %arg8[%swap3A_211] {strides = array<i32>} : memref<16384xf32, #tpu.memory_space<vmem>>, vector<16xf32>,
        %swap3A_213 = vector.shape_cast %swap3A_212 : vector<16xf32> to vector<16xf32>
        %swap3A_214 = vector.shape_cast %gather3A_210 : vector<16xf32> to vector<16xf32>
        tpu.vector_store %arg8[%swap3A_211], %swap3A_214 {strides = array<i32>} : memref<16384xf32, #tpu.memory_space<vmem>>, vector<16xf32>,
        %mul3A_215 = arith.constant 128 : i32
        %mul3A_216 = arith.muli %scan3A_132, %mul3A_215 : i32
        %add3A_217 = arith.constant 96 : i32
        %add3A_218 = arith.addi %mul3A_216, %add3A_217 : i32
        %get3A_219 = arith.index_cast %add3A_218 : i32 to index
        %get3A_220 = tpu.vector_load %arg6[%get3A_219] {strides = array<i32>} : memref<16384xi32, #tpu.memory_space<vmem>>, vector<16xi32>,
        %get3A_221 = vector.shape_cast %get3A_220 : vector<16xi32> to vector<16xi32>
        %broadcast_in_dim3A_222 = vector.shape_cast %get3A_221 : vector<16xi32> to vector<16x1xi32>
        %gather3A_223 = vector.shape_cast %broadcast_in_dim3A_222 : vector<16x1xi32> to vector<16xi32>
        %gather3A_224 = tpu.dynamic_gather %get3A_2[%gather3A_223] in [0] : vector<16xf32>, vector<16xi32> -> vector<16xf32>
        %swap3A_225 = arith.index_cast %add3A_218 : i32 to index
        %swap3A_226 = tpu.vector_load %arg8[%swap3A_225] {strides = array<i32>} : memref<16384xf32, #tpu.memory_space<vmem>>, vector<16xf32>,
        %swap3A_227 = vector.shape_cast %swap3A_226 : vector<16xf32> to vector<16xf32>
        %swap3A_228 = vector.shape_cast %gather3A_224 : vector<16xf32> to vector<16xf32>
        tpu.vector_store %arg8[%swap3A_225], %swap3A_228 {strides = array<i32>} : memref<16384xf32, #tpu.memory_space<vmem>>, vector<16xf32>,
        %mul3A_229 = arith.constant 128 : i32
        %mul3A_230 = arith.muli %scan3A_132, %mul3A_229 : i32
        %add3A_231 = arith.constant 112 : i32
        %add3A_232 = arith.addi %mul3A_230, %add3A_231 : i32
        %get3A_233 = arith.index_cast %add3A_232 : i32 to index
        %get3A_234 = tpu.vector_load %arg6[%get3A_233] {strides = array<i32>} : memref<16384xi32, #tpu.memory_space<vmem>>, vector<16xi32>,
        %get3A_235 = vector.shape_cast %get3A_234 : vector<16xi32> to vector<16xi32>
        %broadcast_in_dim3A_236 = vector.shape_cast %get3A_235 : vector<16xi32> to vector<16x1xi32>
        %gather3A_237 = vector.shape_cast %broadcast_in_dim3A_236 : vector<16x1xi32> to vector<16xi32>
        %gather3A_238 = tpu.dynamic_gather %get3A_2[%gather3A_237] in [0] : vector<16xf32>, vector<16xi32> -> vector<16xf32>
        %swap3A_239 = arith.index_cast %add3A_232 : i32 to index
        %swap3A_240 = tpu.vector_load %arg8[%swap3A_239] {strides = array<i32>} : memref<16384xf32, #tpu.memory_space<vmem>>, vector<16xf32>,
        %swap3A_241 = vector.shape_cast %swap3A_240 : vector<16xf32> to vector<16xf32>
        %swap3A_242 = vector.shape_cast %gather3A_238 : vector<16xf32> to vector<16xf32>
        tpu.vector_store %arg8[%swap3A_239], %swap3A_242 {strides = array<i32>} : memref<16384xf32, #tpu.memory_space<vmem>>, vector<16xf32>,
        %scan3A_243 = arith.constant 0 : i32
        scf.yield %scan3A_243 : i32
      }
      %scan3A_126 = arith.constant 128 : i32
      %add3A_127 = arith.constant 64 : i32
      %add3A_128 = arith.addi %add3A, %add3A_127 : i32
      %mul3A_129 = arith.constant 16384 : i32
      %mul3A_130 = arith.muli %add3A_128, %mul3A_129 : i32
      %dma_start3A = tpu.memref_slice %arg4[%mul3A_130] : memref<3276800xf32, #tpu.memory_space<hbm>> -> memref<16384xf32, #tpu.memory_space<hbm>>
      %dma_start3A_131 = tpu.memref_slice %arg4[%mul3A_130] : memref<3276800xf32, #tpu.memory_space<hbm>> -> memref<16384xf32, #tpu.memory_space<hbm>>
      tpu.enqueue_dma source(%arg8 : memref<16384xf32, #tpu.memory_space<vmem>>) target(%dma_start3A_131 : memref<16384xf32, #tpu.memory_space<hbm>>) target_semaphore(%arg12 : memref<!tpu.dma_semaphore, #tpu.memory_space<semaphore_mem>>)
    } else {
    }
    %add3A_28 = arith.constant 96 : i32
    %add3A_29 = arith.addi %add3A, %add3A_28 : i32
    %lt3A_30 = arith.constant 200 : i32
    %lt3A_31 = arith.cmpi slt, %add3A_29, %lt3A_30 : i32
    %convert_element_type3A_32 = arith.extui %lt3A_31 : i1 to i32
    %cond3A_33 = arith.constant 0 : i32
    %cond3A_34 = arith.cmpi ne, %convert_element_type3A_32, %cond3A_33 : i32
    scf.if %cond3A_34 {
      %add3A_70 = arith.constant 96 : i32
      %add3A_71 = arith.addi %add3A, %add3A_70 : i32
      %jit3A = arith.constant 8 : i32
      %div3A = arith.divsi %add3A_71, %jit3A : i32
      %sign3A = arith.constant 0 : i32
      %sign3A_72 = arith.cmpi sgt, %add3A_71, %sign3A : i32
      %sign3A_73 = arith.extui %sign3A_72 : i1 to i32
      %sign3A_74 = arith.constant 0 : i32
      %sign3A_75 = arith.cmpi slt, %add3A_71, %sign3A_74 : i32
      %sign3A_76 = arith.extui %sign3A_75 : i1 to i32
      %sign3A_77 = arith.subi %sign3A_73, %sign3A_76 : i32
      %sign3A_78 = arith.constant 0 : i32
      %sign3A_79 = arith.cmpi sgt, %jit3A, %sign3A_78 : i32
      %sign3A_80 = arith.extui %sign3A_79 : i1 to i32
      %sign3A_81 = arith.constant 0 : i32
      %sign3A_82 = arith.cmpi slt, %jit3A, %sign3A_81 : i32
      %sign3A_83 = arith.extui %sign3A_82 : i1 to i32
      %sign3A_84 = arith.subi %sign3A_80, %sign3A_83 : i32
      %ne3A = arith.cmpi ne, %sign3A_77, %sign3A_84 : i32
      %rem3A = arith.remsi %add3A_71, %jit3A : i32
      %ne3A_85 = arith.constant 0 : i32
      %ne3A_86 = arith.cmpi ne, %rem3A, %ne3A_85 : i32
      %and3A = arith.andi %ne3A, %ne3A_86 : i1
      %sub3A = arith.constant 1 : i32
      %sub3A_87 = arith.subi %div3A, %sub3A : i32
      %select_n3A = arith.select %and3A, %sub3A_87, %div3A : i32
      %jit3A_88 = arith.constant 8 : i32
      %eq3A = arith.constant 0 : i32
      %eq3A_89 = arith.cmpi eq, %jit3A_88, %eq3A : i32
      %jit3A_90 = arith.constant 1 : i32
      %select_n3A_91 = arith.select %eq3A_89, %jit3A_90, %jit3A_88 : i32
      %rem3A_92 = arith.remsi %add3A_71, %select_n3A_91 : i32
      %ne3A_93 = arith.constant 0 : i32
      %ne3A_94 = arith.cmpi ne, %rem3A_92, %ne3A_93 : i32
      %lt3A_95 = arith.constant 0 : i32
      %lt3A_96 = arith.cmpi slt, %rem3A_92, %lt3A_95 : i32
      %lt3A_97 = arith.constant 0 : i32
      %lt3A_98 = arith.cmpi slt, %select_n3A_91, %lt3A_97 : i32
      %ne3A_99 = arith.xori %lt3A_96, %lt3A_98 : i1
      %and3A_100 = arith.andi %ne3A_99, %ne3A_94 : i1
      %add3A_101 = arith.addi %rem3A_92, %select_n3A_91 : i32
      %select_n3A_102 = arith.select %and3A_100, %add3A_101, %rem3A_92 : i32
      %dma_wait3A = arith.constant 0 : i32
      %dma_wait3A_103 = tpu.memref_slice %arg2[%select_n3A, %select_n3A_102, %dma_wait3A] : memref<25x8x16384xi32, #tpu.memory_space<hbm>> -> memref<1x1x16384xi32, #tpu.memory_space<hbm>>
      %dma_wait3A_104 = tpu.memref_squeeze %dma_wait3A_103 : memref<1x1x16384xi32, #tpu.memory_space<hbm>> -> memref<16384xi32, #tpu.memory_space<hbm>>
      %dma_wait3A_105 = arith.constant 0 : i32
      %dma_wait3A_106 = tpu.memref_slice %arg2[%select_n3A, %select_n3A_102, %dma_wait3A_105] : memref<25x8x16384xi32, #tpu.memory_space<hbm>> -> memref<1x1x16384xi32, #tpu.memory_space<hbm>>
      %dma_wait3A_107 = tpu.memref_squeeze %dma_wait3A_106 : memref<1x1x16384xi32, #tpu.memory_space<hbm>> -> memref<16384xi32, #tpu.memory_space<hbm>>
      tpu.wait_dma2 semaphore(%arg11 : memref<!tpu.dma_semaphore, #tpu.memory_space<semaphore_mem>>) src(%dma_wait3A_107 : memref<16384xi32, #tpu.memory_space<hbm>>) dst(%arg7 : memref<16384xi32, #tpu.memory_space<vmem>>)
      %add3A_108 = arith.constant 128 : i32
      %add3A_109 = arith.addi %add3A, %add3A_108 : i32
      %lt3A_110 = arith.constant 200 : i32
      %lt3A_111 = arith.cmpi slt, %add3A_109, %lt3A_110 : i32
      %convert_element_type3A_112 = arith.extui %lt3A_111 : i1 to i32
      %cond3A_113 = arith.constant 0 : i32
      %cond3A_114 = arith.cmpi ne, %convert_element_type3A_112, %cond3A_113 : i32
      scf.if %cond3A_114 {
        %add3A_132 = arith.constant 128 : i32
        %add3A_133 = arith.addi %add3A, %add3A_132 : i32
        %jit3A_134 = arith.constant 8 : i32
        %div3A_135 = arith.divsi %add3A_133, %jit3A_134 : i32
        %sign3A_136 = arith.constant 0 : i32
        %sign3A_137 = arith.cmpi sgt, %add3A_133, %sign3A_136 : i32
        %sign3A_138 = arith.extui %sign3A_137 : i1 to i32
        %sign3A_139 = arith.constant 0 : i32
        %sign3A_140 = arith.cmpi slt, %add3A_133, %sign3A_139 : i32
        %sign3A_141 = arith.extui %sign3A_140 : i1 to i32
        %sign3A_142 = arith.subi %sign3A_138, %sign3A_141 : i32
        %sign3A_143 = arith.constant 0 : i32
        %sign3A_144 = arith.cmpi sgt, %jit3A_134, %sign3A_143 : i32
        %sign3A_145 = arith.extui %sign3A_144 : i1 to i32
        %sign3A_146 = arith.constant 0 : i32
        %sign3A_147 = arith.cmpi slt, %jit3A_134, %sign3A_146 : i32
        %sign3A_148 = arith.extui %sign3A_147 : i1 to i32
        %sign3A_149 = arith.subi %sign3A_145, %sign3A_148 : i32
        %ne3A_150 = arith.cmpi ne, %sign3A_142, %sign3A_149 : i32
        %rem3A_151 = arith.remsi %add3A_133, %jit3A_134 : i32
        %ne3A_152 = arith.constant 0 : i32
        %ne3A_153 = arith.cmpi ne, %rem3A_151, %ne3A_152 : i32
        %and3A_154 = arith.andi %ne3A_150, %ne3A_153 : i1
        %sub3A_155 = arith.constant 1 : i32
        %sub3A_156 = arith.subi %div3A_135, %sub3A_155 : i32
        %select_n3A_157 = arith.select %and3A_154, %sub3A_156, %div3A_135 : i32
        %jit3A_158 = arith.constant 8 : i32
        %eq3A_159 = arith.constant 0 : i32
        %eq3A_160 = arith.cmpi eq, %jit3A_158, %eq3A_159 : i32
        %jit3A_161 = arith.constant 1 : i32
        %select_n3A_162 = arith.select %eq3A_160, %jit3A_161, %jit3A_158 : i32
        %rem3A_163 = arith.remsi %add3A_133, %select_n3A_162 : i32
        %ne3A_164 = arith.constant 0 : i32
        %ne3A_165 = arith.cmpi ne, %rem3A_163, %ne3A_164 : i32
        %lt3A_166 = arith.constant 0 : i32
        %lt3A_167 = arith.cmpi slt, %rem3A_163, %lt3A_166 : i32
        %lt3A_168 = arith.constant 0 : i32
        %lt3A_169 = arith.cmpi slt, %select_n3A_162, %lt3A_168 : i32
        %ne3A_170 = arith.xori %lt3A_167, %lt3A_169 : i1
        %and3A_171 = arith.andi %ne3A_170, %ne3A_165 : i1
        %add3A_172 = arith.addi %rem3A_163, %select_n3A_162 : i32
        %select_n3A_173 = arith.select %and3A_171, %add3A_172, %rem3A_163 : i32
        %dma_start3A_174 = arith.constant 0 : i32
        %dma_start3A_175 = tpu.memref_slice %arg2[%select_n3A_157, %select_n3A_173, %dma_start3A_174] : memref<25x8x16384xi32, #tpu.memory_space<hbm>> -> memref<1x1x16384xi32, #tpu.memory_space<hbm>>
        %dma_start3A_176 = tpu.memref_squeeze %dma_start3A_175 : memref<1x1x16384xi32, #tpu.memory_space<hbm>> -> memref<16384xi32, #tpu.memory_space<hbm>>
        %dma_start3A_177 = arith.constant 0 : i32
        %dma_start3A_178 = tpu.memref_slice %arg2[%select_n3A_157, %select_n3A_173, %dma_start3A_177] : memref<25x8x16384xi32, #tpu.memory_space<hbm>> -> memref<1x1x16384xi32, #tpu.memory_space<hbm>>
        %dma_start3A_179 = tpu.memref_squeeze %dma_start3A_178 : memref<1x1x16384xi32, #tpu.memory_space<hbm>> -> memref<16384xi32, #tpu.memory_space<hbm>>
        tpu.enqueue_dma source(%dma_start3A_179 : memref<16384xi32, #tpu.memory_space<hbm>>) target(%arg6 : memref<16384xi32, #tpu.memory_space<vmem>>) target_semaphore(%arg10 : memref<!tpu.dma_semaphore, #tpu.memory_space<semaphore_mem>>)
      } else {
      }
      %add3A_115 = arith.constant 32 : i32
      %add3A_116 = arith.addi %add3A, %add3A_115 : i32
      %mul3A_117 = arith.constant 16384 : i32
      %mul3A_118 = arith.muli %add3A_116, %mul3A_117 : i32
      %dma_wait3A_119 = tpu.memref_slice %arg4[%mul3A_118] : memref<3276800xf32, #tpu.memory_space<hbm>> -> memref<16384xf32, #tpu.memory_space<hbm>>
      %dma_wait3A_120 = tpu.memref_slice %arg4[%mul3A_118] : memref<3276800xf32, #tpu.memory_space<hbm>> -> memref<16384xf32, #tpu.memory_space<hbm>>
      tpu.wait_dma2 semaphore(%arg13 : memref<!tpu.dma_semaphore, #tpu.memory_space<semaphore_mem>>) src(%arg9 : memref<16384xf32, #tpu.memory_space<vmem>>) dst(%dma_wait3A_120 : memref<16384xf32, #tpu.memory_space<hbm>>)
      %scan3A = arith.constant 0 : i32
      %scan3A_121 = arith.constant 0 : i32
      %scan3A_122 = arith.constant 128 : i32
      %scan3A_123 = arith.addi %scan3A_121, %scan3A_122 : i32
      %scan3A_124 = arith.constant 1 : i32
      %scan3A_125 = scf.for %scan3A_132 = %scan3A_121 to %scan3A_123 step %scan3A_124 iter_args(%scan3A_133 = %scan3A) -> (i32)  : i32 {
        %mul3A_134 = arith.constant 128 : i32
        %mul3A_135 = arith.muli %scan3A_132, %mul3A_134 : i32
        %add3A_136 = arith.constant 0 : i32
        %add3A_137 = arith.addi %mul3A_135, %add3A_136 : i32
        %get3A_138 = arith.index_cast %add3A_137 : i32 to index
        %get3A_139 = tpu.vector_load %arg7[%get3A_138] {strides = array<i32>} : memref<16384xi32, #tpu.memory_space<vmem>>, vector<16xi32>,
        %get3A_140 = vector.shape_cast %get3A_139 : vector<16xi32> to vector<16xi32>
        %broadcast_in_dim3A = vector.shape_cast %get3A_140 : vector<16xi32> to vector<16x1xi32>
        %gather3A = vector.shape_cast %broadcast_in_dim3A : vector<16x1xi32> to vector<16xi32>
        %gather3A_141 = tpu.dynamic_gather %get3A_2[%gather3A] in [0] : vector<16xf32>, vector<16xi32> -> vector<16xf32>
        %swap3A = arith.index_cast %add3A_137 : i32 to index
        %swap3A_142 = tpu.vector_load %arg9[%swap3A] {strides = array<i32>} : memref<16384xf32, #tpu.memory_space<vmem>>, vector<16xf32>,
        %swap3A_143 = vector.shape_cast %swap3A_142 : vector<16xf32> to vector<16xf32>
        %swap3A_144 = vector.shape_cast %gather3A_141 : vector<16xf32> to vector<16xf32>
        tpu.vector_store %arg9[%swap3A], %swap3A_144 {strides = array<i32>} : memref<16384xf32, #tpu.memory_space<vmem>>, vector<16xf32>,
        %mul3A_145 = arith.constant 128 : i32
        %mul3A_146 = arith.muli %scan3A_132, %mul3A_145 : i32
        %add3A_147 = arith.constant 16 : i32
        %add3A_148 = arith.addi %mul3A_146, %add3A_147 : i32
        %get3A_149 = arith.index_cast %add3A_148 : i32 to index
        %get3A_150 = tpu.vector_load %arg7[%get3A_149] {strides = array<i32>} : memref<16384xi32, #tpu.memory_space<vmem>>, vector<16xi32>,
        %get3A_151 = vector.shape_cast %get3A_150 : vector<16xi32> to vector<16xi32>
        %broadcast_in_dim3A_152 = vector.shape_cast %get3A_151 : vector<16xi32> to vector<16x1xi32>
        %gather3A_153 = vector.shape_cast %broadcast_in_dim3A_152 : vector<16x1xi32> to vector<16xi32>
        %gather3A_154 = tpu.dynamic_gather %get3A_2[%gather3A_153] in [0] : vector<16xf32>, vector<16xi32> -> vector<16xf32>
        %swap3A_155 = arith.index_cast %add3A_148 : i32 to index
        %swap3A_156 = tpu.vector_load %arg9[%swap3A_155] {strides = array<i32>} : memref<16384xf32, #tpu.memory_space<vmem>>, vector<16xf32>,
        %swap3A_157 = vector.shape_cast %swap3A_156 : vector<16xf32> to vector<16xf32>
        %swap3A_158 = vector.shape_cast %gather3A_154 : vector<16xf32> to vector<16xf32>
        tpu.vector_store %arg9[%swap3A_155], %swap3A_158 {strides = array<i32>} : memref<16384xf32, #tpu.memory_space<vmem>>, vector<16xf32>,
        %mul3A_159 = arith.constant 128 : i32
        %mul3A_160 = arith.muli %scan3A_132, %mul3A_159 : i32
        %add3A_161 = arith.constant 32 : i32
        %add3A_162 = arith.addi %mul3A_160, %add3A_161 : i32
        %get3A_163 = arith.index_cast %add3A_162 : i32 to index
        %get3A_164 = tpu.vector_load %arg7[%get3A_163] {strides = array<i32>} : memref<16384xi32, #tpu.memory_space<vmem>>, vector<16xi32>,
        %get3A_165 = vector.shape_cast %get3A_164 : vector<16xi32> to vector<16xi32>
        %broadcast_in_dim3A_166 = vector.shape_cast %get3A_165 : vector<16xi32> to vector<16x1xi32>
        %gather3A_167 = vector.shape_cast %broadcast_in_dim3A_166 : vector<16x1xi32> to vector<16xi32>
        %gather3A_168 = tpu.dynamic_gather %get3A_2[%gather3A_167] in [0] : vector<16xf32>, vector<16xi32> -> vector<16xf32>
        %swap3A_169 = arith.index_cast %add3A_162 : i32 to index
        %swap3A_170 = tpu.vector_load %arg9[%swap3A_169] {strides = array<i32>} : memref<16384xf32, #tpu.memory_space<vmem>>, vector<16xf32>,
        %swap3A_171 = vector.shape_cast %swap3A_170 : vector<16xf32> to vector<16xf32>
        %swap3A_172 = vector.shape_cast %gather3A_168 : vector<16xf32> to vector<16xf32>
        tpu.vector_store %arg9[%swap3A_169], %swap3A_172 {strides = array<i32>} : memref<16384xf32, #tpu.memory_space<vmem>>, vector<16xf32>,
        %mul3A_173 = arith.constant 128 : i32
        %mul3A_174 = arith.muli %scan3A_132, %mul3A_173 : i32
        %add3A_175 = arith.constant 48 : i32
        %add3A_176 = arith.addi %mul3A_174, %add3A_175 : i32
        %get3A_177 = arith.index_cast %add3A_176 : i32 to index
        %get3A_178 = tpu.vector_load %arg7[%get3A_177] {strides = array<i32>} : memref<16384xi32, #tpu.memory_space<vmem>>, vector<16xi32>,
        %get3A_179 = vector.shape_cast %get3A_178 : vector<16xi32> to vector<16xi32>
        %broadcast_in_dim3A_180 = vector.shape_cast %get3A_179 : vector<16xi32> to vector<16x1xi32>
        %gather3A_181 = vector.shape_cast %broadcast_in_dim3A_180 : vector<16x1xi32> to vector<16xi32>
        %gather3A_182 = tpu.dynamic_gather %get3A_2[%gather3A_181] in [0] : vector<16xf32>, vector<16xi32> -> vector<16xf32>
        %swap3A_183 = arith.index_cast %add3A_176 : i32 to index
        %swap3A_184 = tpu.vector_load %arg9[%swap3A_183] {strides = array<i32>} : memref<16384xf32, #tpu.memory_space<vmem>>, vector<16xf32>,
        %swap3A_185 = vector.shape_cast %swap3A_184 : vector<16xf32> to vector<16xf32>
        %swap3A_186 = vector.shape_cast %gather3A_182 : vector<16xf32> to vector<16xf32>
        tpu.vector_store %arg9[%swap3A_183], %swap3A_186 {strides = array<i32>} : memref<16384xf32, #tpu.memory_space<vmem>>, vector<16xf32>,
        %mul3A_187 = arith.constant 128 : i32
        %mul3A_188 = arith.muli %scan3A_132, %mul3A_187 : i32
        %add3A_189 = arith.constant 64 : i32
        %add3A_190 = arith.addi %mul3A_188, %add3A_189 : i32
        %get3A_191 = arith.index_cast %add3A_190 : i32 to index
        %get3A_192 = tpu.vector_load %arg7[%get3A_191] {strides = array<i32>} : memref<16384xi32, #tpu.memory_space<vmem>>, vector<16xi32>,
        %get3A_193 = vector.shape_cast %get3A_192 : vector<16xi32> to vector<16xi32>
        %broadcast_in_dim3A_194 = vector.shape_cast %get3A_193 : vector<16xi32> to vector<16x1xi32>
        %gather3A_195 = vector.shape_cast %broadcast_in_dim3A_194 : vector<16x1xi32> to vector<16xi32>
        %gather3A_196 = tpu.dynamic_gather %get3A_2[%gather3A_195] in [0] : vector<16xf32>, vector<16xi32> -> vector<16xf32>
        %swap3A_197 = arith.index_cast %add3A_190 : i32 to index
        %swap3A_198 = tpu.vector_load %arg9[%swap3A_197] {strides = array<i32>} : memref<16384xf32, #tpu.memory_space<vmem>>, vector<16xf32>,
        %swap3A_199 = vector.shape_cast %swap3A_198 : vector<16xf32> to vector<16xf32>
        %swap3A_200 = vector.shape_cast %gather3A_196 : vector<16xf32> to vector<16xf32>
        tpu.vector_store %arg9[%swap3A_197], %swap3A_200 {strides = array<i32>} : memref<16384xf32, #tpu.memory_space<vmem>>, vector<16xf32>,
        %mul3A_201 = arith.constant 128 : i32
        %mul3A_202 = arith.muli %scan3A_132, %mul3A_201 : i32
        %add3A_203 = arith.constant 80 : i32
        %add3A_204 = arith.addi %mul3A_202, %add3A_203 : i32
        %get3A_205 = arith.index_cast %add3A_204 : i32 to index
        %get3A_206 = tpu.vector_load %arg7[%get3A_205] {strides = array<i32>} : memref<16384xi32, #tpu.memory_space<vmem>>, vector<16xi32>,
        %get3A_207 = vector.shape_cast %get3A_206 : vector<16xi32> to vector<16xi32>
        %broadcast_in_dim3A_208 = vector.shape_cast %get3A_207 : vector<16xi32> to vector<16x1xi32>
        %gather3A_209 = vector.shape_cast %broadcast_in_dim3A_208 : vector<16x1xi32> to vector<16xi32>
        %gather3A_210 = tpu.dynamic_gather %get3A_2[%gather3A_209] in [0] : vector<16xf32>, vector<16xi32> -> vector<16xf32>
        %swap3A_211 = arith.index_cast %add3A_204 : i32 to index
        %swap3A_212 = tpu.vector_load %arg9[%swap3A_211] {strides = array<i32>} : memref<16384xf32, #tpu.memory_space<vmem>>, vector<16xf32>,
        %swap3A_213 = vector.shape_cast %swap3A_212 : vector<16xf32> to vector<16xf32>
        %swap3A_214 = vector.shape_cast %gather3A_210 : vector<16xf32> to vector<16xf32>
        tpu.vector_store %arg9[%swap3A_211], %swap3A_214 {strides = array<i32>} : memref<16384xf32, #tpu.memory_space<vmem>>, vector<16xf32>,
        %mul3A_215 = arith.constant 128 : i32
        %mul3A_216 = arith.muli %scan3A_132, %mul3A_215 : i32
        %add3A_217 = arith.constant 96 : i32
        %add3A_218 = arith.addi %mul3A_216, %add3A_217 : i32
        %get3A_219 = arith.index_cast %add3A_218 : i32 to index
        %get3A_220 = tpu.vector_load %arg7[%get3A_219] {strides = array<i32>} : memref<16384xi32, #tpu.memory_space<vmem>>, vector<16xi32>,
        %get3A_221 = vector.shape_cast %get3A_220 : vector<16xi32> to vector<16xi32>
        %broadcast_in_dim3A_222 = vector.shape_cast %get3A_221 : vector<16xi32> to vector<16x1xi32>
        %gather3A_223 = vector.shape_cast %broadcast_in_dim3A_222 : vector<16x1xi32> to vector<16xi32>
        %gather3A_224 = tpu.dynamic_gather %get3A_2[%gather3A_223] in [0] : vector<16xf32>, vector<16xi32> -> vector<16xf32>
        %swap3A_225 = arith.index_cast %add3A_218 : i32 to index
        %swap3A_226 = tpu.vector_load %arg9[%swap3A_225] {strides = array<i32>} : memref<16384xf32, #tpu.memory_space<vmem>>, vector<16xf32>,
        %swap3A_227 = vector.shape_cast %swap3A_226 : vector<16xf32> to vector<16xf32>
        %swap3A_228 = vector.shape_cast %gather3A_224 : vector<16xf32> to vector<16xf32>
        tpu.vector_store %arg9[%swap3A_225], %swap3A_228 {strides = array<i32>} : memref<16384xf32, #tpu.memory_space<vmem>>, vector<16xf32>,
        %mul3A_229 = arith.constant 128 : i32
        %mul3A_230 = arith.muli %scan3A_132, %mul3A_229 : i32
        %add3A_231 = arith.constant 112 : i32
        %add3A_232 = arith.addi %mul3A_230, %add3A_231 : i32
        %get3A_233 = arith.index_cast %add3A_232 : i32 to index
        %get3A_234 = tpu.vector_load %arg7[%get3A_233] {strides = array<i32>} : memref<16384xi32, #tpu.memory_space<vmem>>, vector<16xi32>,
        %get3A_235 = vector.shape_cast %get3A_234 : vector<16xi32> to vector<16xi32>
        %broadcast_in_dim3A_236 = vector.shape_cast %get3A_235 : vector<16xi32> to vector<16x1xi32>
        %gather3A_237 = vector.shape_cast %broadcast_in_dim3A_236 : vector<16x1xi32> to vector<16xi32>
        %gather3A_238 = tpu.dynamic_gather %get3A_2[%gather3A_237] in [0] : vector<16xf32>, vector<16xi32> -> vector<16xf32>
        %swap3A_239 = arith.index_cast %add3A_232 : i32 to index
        %swap3A_240 = tpu.vector_load %arg9[%swap3A_239] {strides = array<i32>} : memref<16384xf32, #tpu.memory_space<vmem>>, vector<16xf32>,
        %swap3A_241 = vector.shape_cast %swap3A_240 : vector<16xf32> to vector<16xf32>
        %swap3A_242 = vector.shape_cast %gather3A_238 : vector<16xf32> to vector<16xf32>
        tpu.vector_store %arg9[%swap3A_239], %swap3A_242 {strides = array<i32>} : memref<16384xf32, #tpu.memory_space<vmem>>, vector<16xf32>,
        %scan3A_243 = arith.constant 0 : i32
        scf.yield %scan3A_243 : i32
      }
      %scan3A_126 = arith.constant 128 : i32
      %add3A_127 = arith.constant 96 : i32
      %add3A_128 = arith.addi %add3A, %add3A_127 : i32
      %mul3A_129 = arith.constant 16384 : i32
      %mul3A_130 = arith.muli %add3A_128, %mul3A_129 : i32
      %dma_start3A = tpu.memref_slice %arg4[%mul3A_130] : memref<3276800xf32, #tpu.memory_space<hbm>> -> memref<16384xf32, #tpu.memory_space<hbm>>
      %dma_start3A_131 = tpu.memref_slice %arg4[%mul3A_130] : memref<3276800xf32, #tpu.memory_space<hbm>> -> memref<16384xf32, #tpu.memory_space<hbm>>
      tpu.enqueue_dma source(%arg9 : memref<16384xf32, #tpu.memory_space<vmem>>) target(%dma_start3A_131 : memref<16384xf32, #tpu.memory_space<hbm>>) target_semaphore(%arg13 : memref<!tpu.dma_semaphore, #tpu.memory_space<semaphore_mem>>)
    } else {
    }
    %add3A_35 = arith.constant 128 : i32
    %add3A_36 = arith.addi %add3A, %add3A_35 : i32
    %lt3A_37 = arith.constant 200 : i32
    %lt3A_38 = arith.cmpi slt, %add3A_36, %lt3A_37 : i32
    %convert_element_type3A_39 = arith.extui %lt3A_38 : i1 to i32
    %cond3A_40 = arith.constant 0 : i32
    %cond3A_41 = arith.cmpi ne, %convert_element_type3A_39, %cond3A_40 : i32
    scf.if %cond3A_41 {
      %add3A_70 = arith.constant 128 : i32
      %add3A_71 = arith.addi %add3A, %add3A_70 : i32
      %jit3A = arith.constant 8 : i32
      %div3A = arith.divsi %add3A_71, %jit3A : i32
      %sign3A = arith.constant 0 : i32
      %sign3A_72 = arith.cmpi sgt, %add3A_71, %sign3A : i32
      %sign3A_73 = arith.extui %sign3A_72 : i1 to i32
      %sign3A_74 = arith.constant 0 : i32
      %sign3A_75 = arith.cmpi slt, %add3A_71, %sign3A_74 : i32
      %sign3A_76 = arith.extui %sign3A_75 : i1 to i32
      %sign3A_77 = arith.subi %sign3A_73, %sign3A_76 : i32
      %sign3A_78 = arith.constant 0 : i32
      %sign3A_79 = arith.cmpi sgt, %jit3A, %sign3A_78 : i32
      %sign3A_80 = arith.extui %sign3A_79 : i1 to i32
      %sign3A_81 = arith.constant 0 : i32
      %sign3A_82 = arith.cmpi slt, %jit3A, %sign3A_81 : i32
      %sign3A_83 = arith.extui %sign3A_82 : i1 to i32
      %sign3A_84 = arith.subi %sign3A_80, %sign3A_83 : i32
      %ne3A = arith.cmpi ne, %sign3A_77, %sign3A_84 : i32
      %rem3A = arith.remsi %add3A_71, %jit3A : i32
      %ne3A_85 = arith.constant 0 : i32
      %ne3A_86 = arith.cmpi ne, %rem3A, %ne3A_85 : i32
      %and3A = arith.andi %ne3A, %ne3A_86 : i1
      %sub3A = arith.constant 1 : i32
      %sub3A_87 = arith.subi %div3A, %sub3A : i32
      %select_n3A = arith.select %and3A, %sub3A_87, %div3A : i32
      %jit3A_88 = arith.constant 8 : i32
      %eq3A = arith.constant 0 : i32
      %eq3A_89 = arith.cmpi eq, %jit3A_88, %eq3A : i32
      %jit3A_90 = arith.constant 1 : i32
      %select_n3A_91 = arith.select %eq3A_89, %jit3A_90, %jit3A_88 : i32
      %rem3A_92 = arith.remsi %add3A_71, %select_n3A_91 : i32
      %ne3A_93 = arith.constant 0 : i32
      %ne3A_94 = arith.cmpi ne, %rem3A_92, %ne3A_93 : i32
      %lt3A_95 = arith.constant 0 : i32
      %lt3A_96 = arith.cmpi slt, %rem3A_92, %lt3A_95 : i32
      %lt3A_97 = arith.constant 0 : i32
      %lt3A_98 = arith.cmpi slt, %select_n3A_91, %lt3A_97 : i32
      %ne3A_99 = arith.xori %lt3A_96, %lt3A_98 : i1
      %and3A_100 = arith.andi %ne3A_99, %ne3A_94 : i1
      %add3A_101 = arith.addi %rem3A_92, %select_n3A_91 : i32
      %select_n3A_102 = arith.select %and3A_100, %add3A_101, %rem3A_92 : i32
      %dma_wait3A = arith.constant 0 : i32
      %dma_wait3A_103 = tpu.memref_slice %arg2[%select_n3A, %select_n3A_102, %dma_wait3A] : memref<25x8x16384xi32, #tpu.memory_space<hbm>> -> memref<1x1x16384xi32, #tpu.memory_space<hbm>>
      %dma_wait3A_104 = tpu.memref_squeeze %dma_wait3A_103 : memref<1x1x16384xi32, #tpu.memory_space<hbm>> -> memref<16384xi32, #tpu.memory_space<hbm>>
      %dma_wait3A_105 = arith.constant 0 : i32
      %dma_wait3A_106 = tpu.memref_slice %arg2[%select_n3A, %select_n3A_102, %dma_wait3A_105] : memref<25x8x16384xi32, #tpu.memory_space<hbm>> -> memref<1x1x16384xi32, #tpu.memory_space<hbm>>
      %dma_wait3A_107 = tpu.memref_squeeze %dma_wait3A_106 : memref<1x1x16384xi32, #tpu.memory_space<hbm>> -> memref<16384xi32, #tpu.memory_space<hbm>>
      tpu.wait_dma2 semaphore(%arg10 : memref<!tpu.dma_semaphore, #tpu.memory_space<semaphore_mem>>) src(%dma_wait3A_107 : memref<16384xi32, #tpu.memory_space<hbm>>) dst(%arg6 : memref<16384xi32, #tpu.memory_space<vmem>>)
      %add3A_108 = arith.constant 160 : i32
      %add3A_109 = arith.addi %add3A, %add3A_108 : i32
      %lt3A_110 = arith.constant 200 : i32
      %lt3A_111 = arith.cmpi slt, %add3A_109, %lt3A_110 : i32
      %convert_element_type3A_112 = arith.extui %lt3A_111 : i1 to i32
      %cond3A_113 = arith.constant 0 : i32
      %cond3A_114 = arith.cmpi ne, %convert_element_type3A_112, %cond3A_113 : i32
      scf.if %cond3A_114 {
        %add3A_132 = arith.constant 160 : i32
        %add3A_133 = arith.addi %add3A, %add3A_132 : i32
        %jit3A_134 = arith.constant 8 : i32
        %div3A_135 = arith.divsi %add3A_133, %jit3A_134 : i32
        %sign3A_136 = arith.constant 0 : i32
        %sign3A_137 = arith.cmpi sgt, %add3A_133, %sign3A_136 : i32
        %sign3A_138 = arith.extui %sign3A_137 : i1 to i32
        %sign3A_139 = arith.constant 0 : i32
        %sign3A_140 = arith.cmpi slt, %add3A_133, %sign3A_139 : i32
        %sign3A_141 = arith.extui %sign3A_140 : i1 to i32
        %sign3A_142 = arith.subi %sign3A_138, %sign3A_141 : i32
        %sign3A_143 = arith.constant 0 : i32
        %sign3A_144 = arith.cmpi sgt, %jit3A_134, %sign3A_143 : i32
        %sign3A_145 = arith.extui %sign3A_144 : i1 to i32
        %sign3A_146 = arith.constant 0 : i32
        %sign3A_147 = arith.cmpi slt, %jit3A_134, %sign3A_146 : i32
        %sign3A_148 = arith.extui %sign3A_147 : i1 to i32
        %sign3A_149 = arith.subi %sign3A_145, %sign3A_148 : i32
        %ne3A_150 = arith.cmpi ne, %sign3A_142, %sign3A_149 : i32
        %rem3A_151 = arith.remsi %add3A_133, %jit3A_134 : i32
        %ne3A_152 = arith.constant 0 : i32
        %ne3A_153 = arith.cmpi ne, %rem3A_151, %ne3A_152 : i32
        %and3A_154 = arith.andi %ne3A_150, %ne3A_153 : i1
        %sub3A_155 = arith.constant 1 : i32
        %sub3A_156 = arith.subi %div3A_135, %sub3A_155 : i32
        %select_n3A_157 = arith.select %and3A_154, %sub3A_156, %div3A_135 : i32
        %jit3A_158 = arith.constant 8 : i32
        %eq3A_159 = arith.constant 0 : i32
        %eq3A_160 = arith.cmpi eq, %jit3A_158, %eq3A_159 : i32
        %jit3A_161 = arith.constant 1 : i32
        %select_n3A_162 = arith.select %eq3A_160, %jit3A_161, %jit3A_158 : i32
        %rem3A_163 = arith.remsi %add3A_133, %select_n3A_162 : i32
        %ne3A_164 = arith.constant 0 : i32
        %ne3A_165 = arith.cmpi ne, %rem3A_163, %ne3A_164 : i32
        %lt3A_166 = arith.constant 0 : i32
        %lt3A_167 = arith.cmpi slt, %rem3A_163, %lt3A_166 : i32
        %lt3A_168 = arith.constant 0 : i32
        %lt3A_169 = arith.cmpi slt, %select_n3A_162, %lt3A_168 : i32
        %ne3A_170 = arith.xori %lt3A_167, %lt3A_169 : i1
        %and3A_171 = arith.andi %ne3A_170, %ne3A_165 : i1
        %add3A_172 = arith.addi %rem3A_163, %select_n3A_162 : i32
        %select_n3A_173 = arith.select %and3A_171, %add3A_172, %rem3A_163 : i32
        %dma_start3A_174 = arith.constant 0 : i32
        %dma_start3A_175 = tpu.memref_slice %arg2[%select_n3A_157, %select_n3A_173, %dma_start3A_174] : memref<25x8x16384xi32, #tpu.memory_space<hbm>> -> memref<1x1x16384xi32, #tpu.memory_space<hbm>>
        %dma_start3A_176 = tpu.memref_squeeze %dma_start3A_175 : memref<1x1x16384xi32, #tpu.memory_space<hbm>> -> memref<16384xi32, #tpu.memory_space<hbm>>
        %dma_start3A_177 = arith.constant 0 : i32
        %dma_start3A_178 = tpu.memref_slice %arg2[%select_n3A_157, %select_n3A_173, %dma_start3A_177] : memref<25x8x16384xi32, #tpu.memory_space<hbm>> -> memref<1x1x16384xi32, #tpu.memory_space<hbm>>
        %dma_start3A_179 = tpu.memref_squeeze %dma_start3A_178 : memref<1x1x16384xi32, #tpu.memory_space<hbm>> -> memref<16384xi32, #tpu.memory_space<hbm>>
        tpu.enqueue_dma source(%dma_start3A_179 : memref<16384xi32, #tpu.memory_space<hbm>>) target(%arg7 : memref<16384xi32, #tpu.memory_space<vmem>>) target_semaphore(%arg11 : memref<!tpu.dma_semaphore, #tpu.memory_space<semaphore_mem>>)
      } else {
      }
      %add3A_115 = arith.constant 64 : i32
      %add3A_116 = arith.addi %add3A, %add3A_115 : i32
      %mul3A_117 = arith.constant 16384 : i32
      %mul3A_118 = arith.muli %add3A_116, %mul3A_117 : i32
      %dma_wait3A_119 = tpu.memref_slice %arg4[%mul3A_118] : memref<3276800xf32, #tpu.memory_space<hbm>> -> memref<16384xf32, #tpu.memory_space<hbm>>
      %dma_wait3A_120 = tpu.memref_slice %arg4[%mul3A_118] : memref<3276800xf32, #tpu.memory_space<hbm>> -> memref<16384xf32, #tpu.memory_space<hbm>>
      tpu.wait_dma2 semaphore(%arg12 : memref<!tpu.dma_semaphore, #tpu.memory_space<semaphore_mem>>) src(%arg8 : memref<16384xf32, #tpu.memory_space<vmem>>) dst(%dma_wait3A_120 : memref<16384xf32, #tpu.memory_space<hbm>>)
      %scan3A = arith.constant 0 : i32
      %scan3A_121 = arith.constant 0 : i32
      %scan3A_122 = arith.constant 128 : i32
      %scan3A_123 = arith.addi %scan3A_121, %scan3A_122 : i32
      %scan3A_124 = arith.constant 1 : i32
      %scan3A_125 = scf.for %scan3A_132 = %scan3A_121 to %scan3A_123 step %scan3A_124 iter_args(%scan3A_133 = %scan3A) -> (i32)  : i32 {
        %mul3A_134 = arith.constant 128 : i32
        %mul3A_135 = arith.muli %scan3A_132, %mul3A_134 : i32
        %add3A_136 = arith.constant 0 : i32
        %add3A_137 = arith.addi %mul3A_135, %add3A_136 : i32
        %get3A_138 = arith.index_cast %add3A_137 : i32 to index
        %get3A_139 = tpu.vector_load %arg6[%get3A_138] {strides = array<i32>} : memref<16384xi32, #tpu.memory_space<vmem>>, vector<16xi32>,
        %get3A_140 = vector.shape_cast %get3A_139 : vector<16xi32> to vector<16xi32>
        %broadcast_in_dim3A = vector.shape_cast %get3A_140 : vector<16xi32> to vector<16x1xi32>
        %gather3A = vector.shape_cast %broadcast_in_dim3A : vector<16x1xi32> to vector<16xi32>
        %gather3A_141 = tpu.dynamic_gather %get3A_2[%gather3A] in [0] : vector<16xf32>, vector<16xi32> -> vector<16xf32>
        %swap3A = arith.index_cast %add3A_137 : i32 to index
        %swap3A_142 = tpu.vector_load %arg8[%swap3A] {strides = array<i32>} : memref<16384xf32, #tpu.memory_space<vmem>>, vector<16xf32>,
        %swap3A_143 = vector.shape_cast %swap3A_142 : vector<16xf32> to vector<16xf32>
        %swap3A_144 = vector.shape_cast %gather3A_141 : vector<16xf32> to vector<16xf32>
        tpu.vector_store %arg8[%swap3A], %swap3A_144 {strides = array<i32>} : memref<16384xf32, #tpu.memory_space<vmem>>, vector<16xf32>,
        %mul3A_145 = arith.constant 128 : i32
        %mul3A_146 = arith.muli %scan3A_132, %mul3A_145 : i32
        %add3A_147 = arith.constant 16 : i32
        %add3A_148 = arith.addi %mul3A_146, %add3A_147 : i32
        %get3A_149 = arith.index_cast %add3A_148 : i32 to index
        %get3A_150 = tpu.vector_load %arg6[%get3A_149] {strides = array<i32>} : memref<16384xi32, #tpu.memory_space<vmem>>, vector<16xi32>,
        %get3A_151 = vector.shape_cast %get3A_150 : vector<16xi32> to vector<16xi32>
        %broadcast_in_dim3A_152 = vector.shape_cast %get3A_151 : vector<16xi32> to vector<16x1xi32>
        %gather3A_153 = vector.shape_cast %broadcast_in_dim3A_152 : vector<16x1xi32> to vector<16xi32>
        %gather3A_154 = tpu.dynamic_gather %get3A_2[%gather3A_153] in [0] : vector<16xf32>, vector<16xi32> -> vector<16xf32>
        %swap3A_155 = arith.index_cast %add3A_148 : i32 to index
        %swap3A_156 = tpu.vector_load %arg8[%swap3A_155] {strides = array<i32>} : memref<16384xf32, #tpu.memory_space<vmem>>, vector<16xf32>,
        %swap3A_157 = vector.shape_cast %swap3A_156 : vector<16xf32> to vector<16xf32>
        %swap3A_158 = vector.shape_cast %gather3A_154 : vector<16xf32> to vector<16xf32>
        tpu.vector_store %arg8[%swap3A_155], %swap3A_158 {strides = array<i32>} : memref<16384xf32, #tpu.memory_space<vmem>>, vector<16xf32>,
        %mul3A_159 = arith.constant 128 : i32
        %mul3A_160 = arith.muli %scan3A_132, %mul3A_159 : i32
        %add3A_161 = arith.constant 32 : i32
        %add3A_162 = arith.addi %mul3A_160, %add3A_161 : i32
        %get3A_163 = arith.index_cast %add3A_162 : i32 to index
        %get3A_164 = tpu.vector_load %arg6[%get3A_163] {strides = array<i32>} : memref<16384xi32, #tpu.memory_space<vmem>>, vector<16xi32>,
        %get3A_165 = vector.shape_cast %get3A_164 : vector<16xi32> to vector<16xi32>
        %broadcast_in_dim3A_166 = vector.shape_cast %get3A_165 : vector<16xi32> to vector<16x1xi32>
        %gather3A_167 = vector.shape_cast %broadcast_in_dim3A_166 : vector<16x1xi32> to vector<16xi32>
        %gather3A_168 = tpu.dynamic_gather %get3A_2[%gather3A_167] in [0] : vector<16xf32>, vector<16xi32> -> vector<16xf32>
        %swap3A_169 = arith.index_cast %add3A_162 : i32 to index
        %swap3A_170 = tpu.vector_load %arg8[%swap3A_169] {strides = array<i32>} : memref<16384xf32, #tpu.memory_space<vmem>>, vector<16xf32>,
        %swap3A_171 = vector.shape_cast %swap3A_170 : vector<16xf32> to vector<16xf32>
        %swap3A_172 = vector.shape_cast %gather3A_168 : vector<16xf32> to vector<16xf32>
        tpu.vector_store %arg8[%swap3A_169], %swap3A_172 {strides = array<i32>} : memref<16384xf32, #tpu.memory_space<vmem>>, vector<16xf32>,
        %mul3A_173 = arith.constant 128 : i32
        %mul3A_174 = arith.muli %scan3A_132, %mul3A_173 : i32
        %add3A_175 = arith.constant 48 : i32
        %add3A_176 = arith.addi %mul3A_174, %add3A_175 : i32
        %get3A_177 = arith.index_cast %add3A_176 : i32 to index
        %get3A_178 = tpu.vector_load %arg6[%get3A_177] {strides = array<i32>} : memref<16384xi32, #tpu.memory_space<vmem>>, vector<16xi32>,
        %get3A_179 = vector.shape_cast %get3A_178 : vector<16xi32> to vector<16xi32>
        %broadcast_in_dim3A_180 = vector.shape_cast %get3A_179 : vector<16xi32> to vector<16x1xi32>
        %gather3A_181 = vector.shape_cast %broadcast_in_dim3A_180 : vector<16x1xi32> to vector<16xi32>
        %gather3A_182 = tpu.dynamic_gather %get3A_2[%gather3A_181] in [0] : vector<16xf32>, vector<16xi32> -> vector<16xf32>
        %swap3A_183 = arith.index_cast %add3A_176 : i32 to index
        %swap3A_184 = tpu.vector_load %arg8[%swap3A_183] {strides = array<i32>} : memref<16384xf32, #tpu.memory_space<vmem>>, vector<16xf32>,
        %swap3A_185 = vector.shape_cast %swap3A_184 : vector<16xf32> to vector<16xf32>
        %swap3A_186 = vector.shape_cast %gather3A_182 : vector<16xf32> to vector<16xf32>
        tpu.vector_store %arg8[%swap3A_183], %swap3A_186 {strides = array<i32>} : memref<16384xf32, #tpu.memory_space<vmem>>, vector<16xf32>,
        %mul3A_187 = arith.constant 128 : i32
        %mul3A_188 = arith.muli %scan3A_132, %mul3A_187 : i32
        %add3A_189 = arith.constant 64 : i32
        %add3A_190 = arith.addi %mul3A_188, %add3A_189 : i32
        %get3A_191 = arith.index_cast %add3A_190 : i32 to index
        %get3A_192 = tpu.vector_load %arg6[%get3A_191] {strides = array<i32>} : memref<16384xi32, #tpu.memory_space<vmem>>, vector<16xi32>,
        %get3A_193 = vector.shape_cast %get3A_192 : vector<16xi32> to vector<16xi32>
        %broadcast_in_dim3A_194 = vector.shape_cast %get3A_193 : vector<16xi32> to vector<16x1xi32>
        %gather3A_195 = vector.shape_cast %broadcast_in_dim3A_194 : vector<16x1xi32> to vector<16xi32>
        %gather3A_196 = tpu.dynamic_gather %get3A_2[%gather3A_195] in [0] : vector<16xf32>, vector<16xi32> -> vector<16xf32>
        %swap3A_197 = arith.index_cast %add3A_190 : i32 to index
        %swap3A_198 = tpu.vector_load %arg8[%swap3A_197] {strides = array<i32>} : memref<16384xf32, #tpu.memory_space<vmem>>, vector<16xf32>,
        %swap3A_199 = vector.shape_cast %swap3A_198 : vector<16xf32> to vector<16xf32>
        %swap3A_200 = vector.shape_cast %gather3A_196 : vector<16xf32> to vector<16xf32>
        tpu.vector_store %arg8[%swap3A_197], %swap3A_200 {strides = array<i32>} : memref<16384xf32, #tpu.memory_space<vmem>>, vector<16xf32>,
        %mul3A_201 = arith.constant 128 : i32
        %mul3A_202 = arith.muli %scan3A_132, %mul3A_201 : i32
        %add3A_203 = arith.constant 80 : i32
        %add3A_204 = arith.addi %mul3A_202, %add3A_203 : i32
        %get3A_205 = arith.index_cast %add3A_204 : i32 to index
        %get3A_206 = tpu.vector_load %arg6[%get3A_205] {strides = array<i32>} : memref<16384xi32, #tpu.memory_space<vmem>>, vector<16xi32>,
        %get3A_207 = vector.shape_cast %get3A_206 : vector<16xi32> to vector<16xi32>
        %broadcast_in_dim3A_208 = vector.shape_cast %get3A_207 : vector<16xi32> to vector<16x1xi32>
        %gather3A_209 = vector.shape_cast %broadcast_in_dim3A_208 : vector<16x1xi32> to vector<16xi32>
        %gather3A_210 = tpu.dynamic_gather %get3A_2[%gather3A_209] in [0] : vector<16xf32>, vector<16xi32> -> vector<16xf32>
        %swap3A_211 = arith.index_cast %add3A_204 : i32 to index
        %swap3A_212 = tpu.vector_load %arg8[%swap3A_211] {strides = array<i32>} : memref<16384xf32, #tpu.memory_space<vmem>>, vector<16xf32>,
        %swap3A_213 = vector.shape_cast %swap3A_212 : vector<16xf32> to vector<16xf32>
        %swap3A_214 = vector.shape_cast %gather3A_210 : vector<16xf32> to vector<16xf32>
        tpu.vector_store %arg8[%swap3A_211], %swap3A_214 {strides = array<i32>} : memref<16384xf32, #tpu.memory_space<vmem>>, vector<16xf32>,
        %mul3A_215 = arith.constant 128 : i32
        %mul3A_216 = arith.muli %scan3A_132, %mul3A_215 : i32
        %add3A_217 = arith.constant 96 : i32
        %add3A_218 = arith.addi %mul3A_216, %add3A_217 : i32
        %get3A_219 = arith.index_cast %add3A_218 : i32 to index
        %get3A_220 = tpu.vector_load %arg6[%get3A_219] {strides = array<i32>} : memref<16384xi32, #tpu.memory_space<vmem>>, vector<16xi32>,
        %get3A_221 = vector.shape_cast %get3A_220 : vector<16xi32> to vector<16xi32>
        %broadcast_in_dim3A_222 = vector.shape_cast %get3A_221 : vector<16xi32> to vector<16x1xi32>
        %gather3A_223 = vector.shape_cast %broadcast_in_dim3A_222 : vector<16x1xi32> to vector<16xi32>
        %gather3A_224 = tpu.dynamic_gather %get3A_2[%gather3A_223] in [0] : vector<16xf32>, vector<16xi32> -> vector<16xf32>
        %swap3A_225 = arith.index_cast %add3A_218 : i32 to index
        %swap3A_226 = tpu.vector_load %arg8[%swap3A_225] {strides = array<i32>} : memref<16384xf32, #tpu.memory_space<vmem>>, vector<16xf32>,
        %swap3A_227 = vector.shape_cast %swap3A_226 : vector<16xf32> to vector<16xf32>
        %swap3A_228 = vector.shape_cast %gather3A_224 : vector<16xf32> to vector<16xf32>
        tpu.vector_store %arg8[%swap3A_225], %swap3A_228 {strides = array<i32>} : memref<16384xf32, #tpu.memory_space<vmem>>, vector<16xf32>,
        %mul3A_229 = arith.constant 128 : i32
        %mul3A_230 = arith.muli %scan3A_132, %mul3A_229 : i32
        %add3A_231 = arith.constant 112 : i32
        %add3A_232 = arith.addi %mul3A_230, %add3A_231 : i32
        %get3A_233 = arith.index_cast %add3A_232 : i32 to index
        %get3A_234 = tpu.vector_load %arg6[%get3A_233] {strides = array<i32>} : memref<16384xi32, #tpu.memory_space<vmem>>, vector<16xi32>,
        %get3A_235 = vector.shape_cast %get3A_234 : vector<16xi32> to vector<16xi32>
        %broadcast_in_dim3A_236 = vector.shape_cast %get3A_235 : vector<16xi32> to vector<16x1xi32>
        %gather3A_237 = vector.shape_cast %broadcast_in_dim3A_236 : vector<16x1xi32> to vector<16xi32>
        %gather3A_238 = tpu.dynamic_gather %get3A_2[%gather3A_237] in [0] : vector<16xf32>, vector<16xi32> -> vector<16xf32>
        %swap3A_239 = arith.index_cast %add3A_232 : i32 to index
        %swap3A_240 = tpu.vector_load %arg8[%swap3A_239] {strides = array<i32>} : memref<16384xf32, #tpu.memory_space<vmem>>, vector<16xf32>,
        %swap3A_241 = vector.shape_cast %swap3A_240 : vector<16xf32> to vector<16xf32>
        %swap3A_242 = vector.shape_cast %gather3A_238 : vector<16xf32> to vector<16xf32>
        tpu.vector_store %arg8[%swap3A_239], %swap3A_242 {strides = array<i32>} : memref<16384xf32, #tpu.memory_space<vmem>>, vector<16xf32>,
        %scan3A_243 = arith.constant 0 : i32
        scf.yield %scan3A_243 : i32
      }
      %scan3A_126 = arith.constant 128 : i32
      %add3A_127 = arith.constant 128 : i32
      %add3A_128 = arith.addi %add3A, %add3A_127 : i32
      %mul3A_129 = arith.constant 16384 : i32
      %mul3A_130 = arith.muli %add3A_128, %mul3A_129 : i32
      %dma_start3A = tpu.memref_slice %arg4[%mul3A_130] : memref<3276800xf32, #tpu.memory_space<hbm>> -> memref<16384xf32, #tpu.memory_space<hbm>>
      %dma_start3A_131 = tpu.memref_slice %arg4[%mul3A_130] : memref<3276800xf32, #tpu.memory_space<hbm>> -> memref<16384xf32, #tpu.memory_space<hbm>>
      tpu.enqueue_dma source(%arg8 : memref<16384xf32, #tpu.memory_space<vmem>>) target(%dma_start3A_131 : memref<16384xf32, #tpu.memory_space<hbm>>) target_semaphore(%arg12 : memref<!tpu.dma_semaphore, #tpu.memory_space<semaphore_mem>>)
    } else {
    }
    %add3A_42 = arith.constant 160 : i32
    %add3A_43 = arith.addi %add3A, %add3A_42 : i32
    %lt3A_44 = arith.constant 200 : i32
    %lt3A_45 = arith.cmpi slt, %add3A_43, %lt3A_44 : i32
    %convert_element_type3A_46 = arith.extui %lt3A_45 : i1 to i32
    %cond3A_47 = arith.constant 0 : i32
    %cond3A_48 = arith.cmpi ne, %convert_element_type3A_46, %cond3A_47 : i32
    scf.if %cond3A_48 {
      %add3A_70 = arith.constant 160 : i32
      %add3A_71 = arith.addi %add3A, %add3A_70 : i32
      %jit3A = arith.constant 8 : i32
      %div3A = arith.divsi %add3A_71, %jit3A : i32
      %sign3A = arith.constant 0 : i32
      %sign3A_72 = arith.cmpi sgt, %add3A_71, %sign3A : i32
      %sign3A_73 = arith.extui %sign3A_72 : i1 to i32
      %sign3A_74 = arith.constant 0 : i32
      %sign3A_75 = arith.cmpi slt, %add3A_71, %sign3A_74 : i32
      %sign3A_76 = arith.extui %sign3A_75 : i1 to i32
      %sign3A_77 = arith.subi %sign3A_73, %sign3A_76 : i32
      %sign3A_78 = arith.constant 0 : i32
      %sign3A_79 = arith.cmpi sgt, %jit3A, %sign3A_78 : i32
      %sign3A_80 = arith.extui %sign3A_79 : i1 to i32
      %sign3A_81 = arith.constant 0 : i32
      %sign3A_82 = arith.cmpi slt, %jit3A, %sign3A_81 : i32
      %sign3A_83 = arith.extui %sign3A_82 : i1 to i32
      %sign3A_84 = arith.subi %sign3A_80, %sign3A_83 : i32
      %ne3A = arith.cmpi ne, %sign3A_77, %sign3A_84 : i32
      %rem3A = arith.remsi %add3A_71, %jit3A : i32
      %ne3A_85 = arith.constant 0 : i32
      %ne3A_86 = arith.cmpi ne, %rem3A, %ne3A_85 : i32
      %and3A = arith.andi %ne3A, %ne3A_86 : i1
      %sub3A = arith.constant 1 : i32
      %sub3A_87 = arith.subi %div3A, %sub3A : i32
      %select_n3A = arith.select %and3A, %sub3A_87, %div3A : i32
      %jit3A_88 = arith.constant 8 : i32
      %eq3A = arith.constant 0 : i32
      %eq3A_89 = arith.cmpi eq, %jit3A_88, %eq3A : i32
      %jit3A_90 = arith.constant 1 : i32
      %select_n3A_91 = arith.select %eq3A_89, %jit3A_90, %jit3A_88 : i32
      %rem3A_92 = arith.remsi %add3A_71, %select_n3A_91 : i32
      %ne3A_93 = arith.constant 0 : i32
      %ne3A_94 = arith.cmpi ne, %rem3A_92, %ne3A_93 : i32
      %lt3A_95 = arith.constant 0 : i32
      %lt3A_96 = arith.cmpi slt, %rem3A_92, %lt3A_95 : i32
      %lt3A_97 = arith.constant 0 : i32
      %lt3A_98 = arith.cmpi slt, %select_n3A_91, %lt3A_97 : i32
      %ne3A_99 = arith.xori %lt3A_96, %lt3A_98 : i1
      %and3A_100 = arith.andi %ne3A_99, %ne3A_94 : i1
      %add3A_101 = arith.addi %rem3A_92, %select_n3A_91 : i32
      %select_n3A_102 = arith.select %and3A_100, %add3A_101, %rem3A_92 : i32
      %dma_wait3A = arith.constant 0 : i32
      %dma_wait3A_103 = tpu.memref_slice %arg2[%select_n3A, %select_n3A_102, %dma_wait3A] : memref<25x8x16384xi32, #tpu.memory_space<hbm>> -> memref<1x1x16384xi32, #tpu.memory_space<hbm>>
      %dma_wait3A_104 = tpu.memref_squeeze %dma_wait3A_103 : memref<1x1x16384xi32, #tpu.memory_space<hbm>> -> memref<16384xi32, #tpu.memory_space<hbm>>
      %dma_wait3A_105 = arith.constant 0 : i32
      %dma_wait3A_106 = tpu.memref_slice %arg2[%select_n3A, %select_n3A_102, %dma_wait3A_105] : memref<25x8x16384xi32, #tpu.memory_space<hbm>> -> memref<1x1x16384xi32, #tpu.memory_space<hbm>>
      %dma_wait3A_107 = tpu.memref_squeeze %dma_wait3A_106 : memref<1x1x16384xi32, #tpu.memory_space<hbm>> -> memref<16384xi32, #tpu.memory_space<hbm>>
      tpu.wait_dma2 semaphore(%arg11 : memref<!tpu.dma_semaphore, #tpu.memory_space<semaphore_mem>>) src(%dma_wait3A_107 : memref<16384xi32, #tpu.memory_space<hbm>>) dst(%arg7 : memref<16384xi32, #tpu.memory_space<vmem>>)
      %add3A_108 = arith.constant 192 : i32
      %add3A_109 = arith.addi %add3A, %add3A_108 : i32
      %lt3A_110 = arith.constant 200 : i32
      %lt3A_111 = arith.cmpi slt, %add3A_109, %lt3A_110 : i32
      %convert_element_type3A_112 = arith.extui %lt3A_111 : i1 to i32
      %cond3A_113 = arith.constant 0 : i32
      %cond3A_114 = arith.cmpi ne, %convert_element_type3A_112, %cond3A_113 : i32
      scf.if %cond3A_114 {
        %add3A_132 = arith.constant 192 : i32
        %add3A_133 = arith.addi %add3A, %add3A_132 : i32
        %jit3A_134 = arith.constant 8 : i32
        %div3A_135 = arith.divsi %add3A_133, %jit3A_134 : i32
        %sign3A_136 = arith.constant 0 : i32
        %sign3A_137 = arith.cmpi sgt, %add3A_133, %sign3A_136 : i32
        %sign3A_138 = arith.extui %sign3A_137 : i1 to i32
        %sign3A_139 = arith.constant 0 : i32
        %sign3A_140 = arith.cmpi slt, %add3A_133, %sign3A_139 : i32
        %sign3A_141 = arith.extui %sign3A_140 : i1 to i32
        %sign3A_142 = arith.subi %sign3A_138, %sign3A_141 : i32
        %sign3A_143 = arith.constant 0 : i32
        %sign3A_144 = arith.cmpi sgt, %jit3A_134, %sign3A_143 : i32
        %sign3A_145 = arith.extui %sign3A_144 : i1 to i32
        %sign3A_146 = arith.constant 0 : i32
        %sign3A_147 = arith.cmpi slt, %jit3A_134, %sign3A_146 : i32
        %sign3A_148 = arith.extui %sign3A_147 : i1 to i32
        %sign3A_149 = arith.subi %sign3A_145, %sign3A_148 : i32
        %ne3A_150 = arith.cmpi ne, %sign3A_142, %sign3A_149 : i32
        %rem3A_151 = arith.remsi %add3A_133, %jit3A_134 : i32
        %ne3A_152 = arith.constant 0 : i32
        %ne3A_153 = arith.cmpi ne, %rem3A_151, %ne3A_152 : i32
        %and3A_154 = arith.andi %ne3A_150, %ne3A_153 : i1
        %sub3A_155 = arith.constant 1 : i32
        %sub3A_156 = arith.subi %div3A_135, %sub3A_155 : i32
        %select_n3A_157 = arith.select %and3A_154, %sub3A_156, %div3A_135 : i32
        %jit3A_158 = arith.constant 8 : i32
        %eq3A_159 = arith.constant 0 : i32
        %eq3A_160 = arith.cmpi eq, %jit3A_158, %eq3A_159 : i32
        %jit3A_161 = arith.constant 1 : i32
        %select_n3A_162 = arith.select %eq3A_160, %jit3A_161, %jit3A_158 : i32
        %rem3A_163 = arith.remsi %add3A_133, %select_n3A_162 : i32
        %ne3A_164 = arith.constant 0 : i32
        %ne3A_165 = arith.cmpi ne, %rem3A_163, %ne3A_164 : i32
        %lt3A_166 = arith.constant 0 : i32
        %lt3A_167 = arith.cmpi slt, %rem3A_163, %lt3A_166 : i32
        %lt3A_168 = arith.constant 0 : i32
        %lt3A_169 = arith.cmpi slt, %select_n3A_162, %lt3A_168 : i32
        %ne3A_170 = arith.xori %lt3A_167, %lt3A_169 : i1
        %and3A_171 = arith.andi %ne3A_170, %ne3A_165 : i1
        %add3A_172 = arith.addi %rem3A_163, %select_n3A_162 : i32
        %select_n3A_173 = arith.select %and3A_171, %add3A_172, %rem3A_163 : i32
        %dma_start3A_174 = arith.constant 0 : i32
        %dma_start3A_175 = tpu.memref_slice %arg2[%select_n3A_157, %select_n3A_173, %dma_start3A_174] : memref<25x8x16384xi32, #tpu.memory_space<hbm>> -> memref<1x1x16384xi32, #tpu.memory_space<hbm>>
        %dma_start3A_176 = tpu.memref_squeeze %dma_start3A_175 : memref<1x1x16384xi32, #tpu.memory_space<hbm>> -> memref<16384xi32, #tpu.memory_space<hbm>>
        %dma_start3A_177 = arith.constant 0 : i32
        %dma_start3A_178 = tpu.memref_slice %arg2[%select_n3A_157, %select_n3A_173, %dma_start3A_177] : memref<25x8x16384xi32, #tpu.memory_space<hbm>> -> memref<1x1x16384xi32, #tpu.memory_space<hbm>>
        %dma_start3A_179 = tpu.memref_squeeze %dma_start3A_178 : memref<1x1x16384xi32, #tpu.memory_space<hbm>> -> memref<16384xi32, #tpu.memory_space<hbm>>
        tpu.enqueue_dma source(%dma_start3A_179 : memref<16384xi32, #tpu.memory_space<hbm>>) target(%arg6 : memref<16384xi32, #tpu.memory_space<vmem>>) target_semaphore(%arg10 : memref<!tpu.dma_semaphore, #tpu.memory_space<semaphore_mem>>)
      } else {
      }
      %add3A_115 = arith.constant 96 : i32
      %add3A_116 = arith.addi %add3A, %add3A_115 : i32
      %mul3A_117 = arith.constant 16384 : i32
      %mul3A_118 = arith.muli %add3A_116, %mul3A_117 : i32
      %dma_wait3A_119 = tpu.memref_slice %arg4[%mul3A_118] : memref<3276800xf32, #tpu.memory_space<hbm>> -> memref<16384xf32, #tpu.memory_space<hbm>>
      %dma_wait3A_120 = tpu.memref_slice %arg4[%mul3A_118] : memref<3276800xf32, #tpu.memory_space<hbm>> -> memref<16384xf32, #tpu.memory_space<hbm>>
      tpu.wait_dma2 semaphore(%arg13 : memref<!tpu.dma_semaphore, #tpu.memory_space<semaphore_mem>>) src(%arg9 : memref<16384xf32, #tpu.memory_space<vmem>>) dst(%dma_wait3A_120 : memref<16384xf32, #tpu.memory_space<hbm>>)
      %scan3A = arith.constant 0 : i32
      %scan3A_121 = arith.constant 0 : i32
      %scan3A_122 = arith.constant 128 : i32
      %scan3A_123 = arith.addi %scan3A_121, %scan3A_122 : i32
      %scan3A_124 = arith.constant 1 : i32
      %scan3A_125 = scf.for %scan3A_132 = %scan3A_121 to %scan3A_123 step %scan3A_124 iter_args(%scan3A_133 = %scan3A) -> (i32)  : i32 {
        %mul3A_134 = arith.constant 128 : i32
        %mul3A_135 = arith.muli %scan3A_132, %mul3A_134 : i32
        %add3A_136 = arith.constant 0 : i32
        %add3A_137 = arith.addi %mul3A_135, %add3A_136 : i32
        %get3A_138 = arith.index_cast %add3A_137 : i32 to index
        %get3A_139 = tpu.vector_load %arg7[%get3A_138] {strides = array<i32>} : memref<16384xi32, #tpu.memory_space<vmem>>, vector<16xi32>,
        %get3A_140 = vector.shape_cast %get3A_139 : vector<16xi32> to vector<16xi32>
        %broadcast_in_dim3A = vector.shape_cast %get3A_140 : vector<16xi32> to vector<16x1xi32>
        %gather3A = vector.shape_cast %broadcast_in_dim3A : vector<16x1xi32> to vector<16xi32>
        %gather3A_141 = tpu.dynamic_gather %get3A_2[%gather3A] in [0] : vector<16xf32>, vector<16xi32> -> vector<16xf32>
        %swap3A = arith.index_cast %add3A_137 : i32 to index
        %swap3A_142 = tpu.vector_load %arg9[%swap3A] {strides = array<i32>} : memref<16384xf32, #tpu.memory_space<vmem>>, vector<16xf32>,
        %swap3A_143 = vector.shape_cast %swap3A_142 : vector<16xf32> to vector<16xf32>
        %swap3A_144 = vector.shape_cast %gather3A_141 : vector<16xf32> to vector<16xf32>
        tpu.vector_store %arg9[%swap3A], %swap3A_144 {strides = array<i32>} : memref<16384xf32, #tpu.memory_space<vmem>>, vector<16xf32>,
        %mul3A_145 = arith.constant 128 : i32
        %mul3A_146 = arith.muli %scan3A_132, %mul3A_145 : i32
        %add3A_147 = arith.constant 16 : i32
        %add3A_148 = arith.addi %mul3A_146, %add3A_147 : i32
        %get3A_149 = arith.index_cast %add3A_148 : i32 to index
        %get3A_150 = tpu.vector_load %arg7[%get3A_149] {strides = array<i32>} : memref<16384xi32, #tpu.memory_space<vmem>>, vector<16xi32>,
        %get3A_151 = vector.shape_cast %get3A_150 : vector<16xi32> to vector<16xi32>
        %broadcast_in_dim3A_152 = vector.shape_cast %get3A_151 : vector<16xi32> to vector<16x1xi32>
        %gather3A_153 = vector.shape_cast %broadcast_in_dim3A_152 : vector<16x1xi32> to vector<16xi32>
        %gather3A_154 = tpu.dynamic_gather %get3A_2[%gather3A_153] in [0] : vector<16xf32>, vector<16xi32> -> vector<16xf32>
        %swap3A_155 = arith.index_cast %add3A_148 : i32 to index
        %swap3A_156 = tpu.vector_load %arg9[%swap3A_155] {strides = array<i32>} : memref<16384xf32, #tpu.memory_space<vmem>>, vector<16xf32>,
        %swap3A_157 = vector.shape_cast %swap3A_156 : vector<16xf32> to vector<16xf32>
        %swap3A_158 = vector.shape_cast %gather3A_154 : vector<16xf32> to vector<16xf32>
        tpu.vector_store %arg9[%swap3A_155], %swap3A_158 {strides = array<i32>} : memref<16384xf32, #tpu.memory_space<vmem>>, vector<16xf32>,
        %mul3A_159 = arith.constant 128 : i32
        %mul3A_160 = arith.muli %scan3A_132, %mul3A_159 : i32
        %add3A_161 = arith.constant 32 : i32
        %add3A_162 = arith.addi %mul3A_160, %add3A_161 : i32
        %get3A_163 = arith.index_cast %add3A_162 : i32 to index
        %get3A_164 = tpu.vector_load %arg7[%get3A_163] {strides = array<i32>} : memref<16384xi32, #tpu.memory_space<vmem>>, vector<16xi32>,
        %get3A_165 = vector.shape_cast %get3A_164 : vector<16xi32> to vector<16xi32>
        %broadcast_in_dim3A_166 = vector.shape_cast %get3A_165 : vector<16xi32> to vector<16x1xi32>
        %gather3A_167 = vector.shape_cast %broadcast_in_dim3A_166 : vector<16x1xi32> to vector<16xi32>
        %gather3A_168 = tpu.dynamic_gather %get3A_2[%gather3A_167] in [0] : vector<16xf32>, vector<16xi32> -> vector<16xf32>
        %swap3A_169 = arith.index_cast %add3A_162 : i32 to index
        %swap3A_170 = tpu.vector_load %arg9[%swap3A_169] {strides = array<i32>} : memref<16384xf32, #tpu.memory_space<vmem>>, vector<16xf32>,
        %swap3A_171 = vector.shape_cast %swap3A_170 : vector<16xf32> to vector<16xf32>
        %swap3A_172 = vector.shape_cast %gather3A_168 : vector<16xf32> to vector<16xf32>
        tpu.vector_store %arg9[%swap3A_169], %swap3A_172 {strides = array<i32>} : memref<16384xf32, #tpu.memory_space<vmem>>, vector<16xf32>,
        %mul3A_173 = arith.constant 128 : i32
        %mul3A_174 = arith.muli %scan3A_132, %mul3A_173 : i32
        %add3A_175 = arith.constant 48 : i32
        %add3A_176 = arith.addi %mul3A_174, %add3A_175 : i32
        %get3A_177 = arith.index_cast %add3A_176 : i32 to index
        %get3A_178 = tpu.vector_load %arg7[%get3A_177] {strides = array<i32>} : memref<16384xi32, #tpu.memory_space<vmem>>, vector<16xi32>,
        %get3A_179 = vector.shape_cast %get3A_178 : vector<16xi32> to vector<16xi32>
        %broadcast_in_dim3A_180 = vector.shape_cast %get3A_179 : vector<16xi32> to vector<16x1xi32>
        %gather3A_181 = vector.shape_cast %broadcast_in_dim3A_180 : vector<16x1xi32> to vector<16xi32>
        %gather3A_182 = tpu.dynamic_gather %get3A_2[%gather3A_181] in [0] : vector<16xf32>, vector<16xi32> -> vector<16xf32>
        %swap3A_183 = arith.index_cast %add3A_176 : i32 to index
        %swap3A_184 = tpu.vector_load %arg9[%swap3A_183] {strides = array<i32>} : memref<16384xf32, #tpu.memory_space<vmem>>, vector<16xf32>,
        %swap3A_185 = vector.shape_cast %swap3A_184 : vector<16xf32> to vector<16xf32>
        %swap3A_186 = vector.shape_cast %gather3A_182 : vector<16xf32> to vector<16xf32>
        tpu.vector_store %arg9[%swap3A_183], %swap3A_186 {strides = array<i32>} : memref<16384xf32, #tpu.memory_space<vmem>>, vector<16xf32>,
        %mul3A_187 = arith.constant 128 : i32
        %mul3A_188 = arith.muli %scan3A_132, %mul3A_187 : i32
        %add3A_189 = arith.constant 64 : i32
        %add3A_190 = arith.addi %mul3A_188, %add3A_189 : i32
        %get3A_191 = arith.index_cast %add3A_190 : i32 to index
        %get3A_192 = tpu.vector_load %arg7[%get3A_191] {strides = array<i32>} : memref<16384xi32, #tpu.memory_space<vmem>>, vector<16xi32>,
        %get3A_193 = vector.shape_cast %get3A_192 : vector<16xi32> to vector<16xi32>
        %broadcast_in_dim3A_194 = vector.shape_cast %get3A_193 : vector<16xi32> to vector<16x1xi32>
        %gather3A_195 = vector.shape_cast %broadcast_in_dim3A_194 : vector<16x1xi32> to vector<16xi32>
        %gather3A_196 = tpu.dynamic_gather %get3A_2[%gather3A_195] in [0] : vector<16xf32>, vector<16xi32> -> vector<16xf32>
        %swap3A_197 = arith.index_cast %add3A_190 : i32 to index
        %swap3A_198 = tpu.vector_load %arg9[%swap3A_197] {strides = array<i32>} : memref<16384xf32, #tpu.memory_space<vmem>>, vector<16xf32>,
        %swap3A_199 = vector.shape_cast %swap3A_198 : vector<16xf32> to vector<16xf32>
        %swap3A_200 = vector.shape_cast %gather3A_196 : vector<16xf32> to vector<16xf32>
        tpu.vector_store %arg9[%swap3A_197], %swap3A_200 {strides = array<i32>} : memref<16384xf32, #tpu.memory_space<vmem>>, vector<16xf32>,
        %mul3A_201 = arith.constant 128 : i32
        %mul3A_202 = arith.muli %scan3A_132, %mul3A_201 : i32
        %add3A_203 = arith.constant 80 : i32
        %add3A_204 = arith.addi %mul3A_202, %add3A_203 : i32
        %get3A_205 = arith.index_cast %add3A_204 : i32 to index
        %get3A_206 = tpu.vector_load %arg7[%get3A_205] {strides = array<i32>} : memref<16384xi32, #tpu.memory_space<vmem>>, vector<16xi32>,
        %get3A_207 = vector.shape_cast %get3A_206 : vector<16xi32> to vector<16xi32>
        %broadcast_in_dim3A_208 = vector.shape_cast %get3A_207 : vector<16xi32> to vector<16x1xi32>
        %gather3A_209 = vector.shape_cast %broadcast_in_dim3A_208 : vector<16x1xi32> to vector<16xi32>
        %gather3A_210 = tpu.dynamic_gather %get3A_2[%gather3A_209] in [0] : vector<16xf32>, vector<16xi32> -> vector<16xf32>
        %swap3A_211 = arith.index_cast %add3A_204 : i32 to index
        %swap3A_212 = tpu.vector_load %arg9[%swap3A_211] {strides = array<i32>} : memref<16384xf32, #tpu.memory_space<vmem>>, vector<16xf32>,
        %swap3A_213 = vector.shape_cast %swap3A_212 : vector<16xf32> to vector<16xf32>
        %swap3A_214 = vector.shape_cast %gather3A_210 : vector<16xf32> to vector<16xf32>
        tpu.vector_store %arg9[%swap3A_211], %swap3A_214 {strides = array<i32>} : memref<16384xf32, #tpu.memory_space<vmem>>, vector<16xf32>,
        %mul3A_215 = arith.constant 128 : i32
        %mul3A_216 = arith.muli %scan3A_132, %mul3A_215 : i32
        %add3A_217 = arith.constant 96 : i32
        %add3A_218 = arith.addi %mul3A_216, %add3A_217 : i32
        %get3A_219 = arith.index_cast %add3A_218 : i32 to index
        %get3A_220 = tpu.vector_load %arg7[%get3A_219] {strides = array<i32>} : memref<16384xi32, #tpu.memory_space<vmem>>, vector<16xi32>,
        %get3A_221 = vector.shape_cast %get3A_220 : vector<16xi32> to vector<16xi32>
        %broadcast_in_dim3A_222 = vector.shape_cast %get3A_221 : vector<16xi32> to vector<16x1xi32>
        %gather3A_223 = vector.shape_cast %broadcast_in_dim3A_222 : vector<16x1xi32> to vector<16xi32>
        %gather3A_224 = tpu.dynamic_gather %get3A_2[%gather3A_223] in [0] : vector<16xf32>, vector<16xi32> -> vector<16xf32>
        %swap3A_225 = arith.index_cast %add3A_218 : i32 to index
        %swap3A_226 = tpu.vector_load %arg9[%swap3A_225] {strides = array<i32>} : memref<16384xf32, #tpu.memory_space<vmem>>, vector<16xf32>,
        %swap3A_227 = vector.shape_cast %swap3A_226 : vector<16xf32> to vector<16xf32>
        %swap3A_228 = vector.shape_cast %gather3A_224 : vector<16xf32> to vector<16xf32>
        tpu.vector_store %arg9[%swap3A_225], %swap3A_228 {strides = array<i32>} : memref<16384xf32, #tpu.memory_space<vmem>>, vector<16xf32>,
        %mul3A_229 = arith.constant 128 : i32
        %mul3A_230 = arith.muli %scan3A_132, %mul3A_229 : i32
        %add3A_231 = arith.constant 112 : i32
        %add3A_232 = arith.addi %mul3A_230, %add3A_231 : i32
        %get3A_233 = arith.index_cast %add3A_232 : i32 to index
        %get3A_234 = tpu.vector_load %arg7[%get3A_233] {strides = array<i32>} : memref<16384xi32, #tpu.memory_space<vmem>>, vector<16xi32>,
        %get3A_235 = vector.shape_cast %get3A_234 : vector<16xi32> to vector<16xi32>
        %broadcast_in_dim3A_236 = vector.shape_cast %get3A_235 : vector<16xi32> to vector<16x1xi32>
        %gather3A_237 = vector.shape_cast %broadcast_in_dim3A_236 : vector<16x1xi32> to vector<16xi32>
        %gather3A_238 = tpu.dynamic_gather %get3A_2[%gather3A_237] in [0] : vector<16xf32>, vector<16xi32> -> vector<16xf32>
        %swap3A_239 = arith.index_cast %add3A_232 : i32 to index
        %swap3A_240 = tpu.vector_load %arg9[%swap3A_239] {strides = array<i32>} : memref<16384xf32, #tpu.memory_space<vmem>>, vector<16xf32>,
        %swap3A_241 = vector.shape_cast %swap3A_240 : vector<16xf32> to vector<16xf32>
        %swap3A_242 = vector.shape_cast %gather3A_238 : vector<16xf32> to vector<16xf32>
        tpu.vector_store %arg9[%swap3A_239], %swap3A_242 {strides = array<i32>} : memref<16384xf32, #tpu.memory_space<vmem>>, vector<16xf32>,
        %scan3A_243 = arith.constant 0 : i32
        scf.yield %scan3A_243 : i32
      }
      %scan3A_126 = arith.constant 128 : i32
      %add3A_127 = arith.constant 160 : i32
      %add3A_128 = arith.addi %add3A, %add3A_127 : i32
      %mul3A_129 = arith.constant 16384 : i32
      %mul3A_130 = arith.muli %add3A_128, %mul3A_129 : i32
      %dma_start3A = tpu.memref_slice %arg4[%mul3A_130] : memref<3276800xf32, #tpu.memory_space<hbm>> -> memref<16384xf32, #tpu.memory_space<hbm>>
      %dma_start3A_131 = tpu.memref_slice %arg4[%mul3A_130] : memref<3276800xf32, #tpu.memory_space<hbm>> -> memref<16384xf32, #tpu.memory_space<hbm>>
      tpu.enqueue_dma source(%arg9 : memref<16384xf32, #tpu.memory_space<vmem>>) target(%dma_start3A_131 : memref<16384xf32, #tpu.memory_space<hbm>>) target_semaphore(%arg13 : memref<!tpu.dma_semaphore, #tpu.memory_space<semaphore_mem>>)
    } else {
    }
    %add3A_49 = arith.constant 192 : i32
    %add3A_50 = arith.addi %add3A, %add3A_49 : i32
    %lt3A_51 = arith.constant 200 : i32
    %lt3A_52 = arith.cmpi slt, %add3A_50, %lt3A_51 : i32
    %convert_element_type3A_53 = arith.extui %lt3A_52 : i1 to i32
    %cond3A_54 = arith.constant 0 : i32
    %cond3A_55 = arith.cmpi ne, %convert_element_type3A_53, %cond3A_54 : i32
    scf.if %cond3A_55 {
      %add3A_70 = arith.constant 192 : i32
      %add3A_71 = arith.addi %add3A, %add3A_70 : i32
      %jit3A = arith.constant 8 : i32
      %div3A = arith.divsi %add3A_71, %jit3A : i32
      %sign3A = arith.constant 0 : i32
      %sign3A_72 = arith.cmpi sgt, %add3A_71, %sign3A : i32
      %sign3A_73 = arith.extui %sign3A_72 : i1 to i32
      %sign3A_74 = arith.constant 0 : i32
      %sign3A_75 = arith.cmpi slt, %add3A_71, %sign3A_74 : i32
      %sign3A_76 = arith.extui %sign3A_75 : i1 to i32
      %sign3A_77 = arith.subi %sign3A_73, %sign3A_76 : i32
      %sign3A_78 = arith.constant 0 : i32
      %sign3A_79 = arith.cmpi sgt, %jit3A, %sign3A_78 : i32
      %sign3A_80 = arith.extui %sign3A_79 : i1 to i32
      %sign3A_81 = arith.constant 0 : i32
      %sign3A_82 = arith.cmpi slt, %jit3A, %sign3A_81 : i32
      %sign3A_83 = arith.extui %sign3A_82 : i1 to i32
      %sign3A_84 = arith.subi %sign3A_80, %sign3A_83 : i32
      %ne3A = arith.cmpi ne, %sign3A_77, %sign3A_84 : i32
      %rem3A = arith.remsi %add3A_71, %jit3A : i32
      %ne3A_85 = arith.constant 0 : i32
      %ne3A_86 = arith.cmpi ne, %rem3A, %ne3A_85 : i32
      %and3A = arith.andi %ne3A, %ne3A_86 : i1
      %sub3A = arith.constant 1 : i32
      %sub3A_87 = arith.subi %div3A, %sub3A : i32
      %select_n3A = arith.select %and3A, %sub3A_87, %div3A : i32
      %jit3A_88 = arith.constant 8 : i32
      %eq3A = arith.constant 0 : i32
      %eq3A_89 = arith.cmpi eq, %jit3A_88, %eq3A : i32
      %jit3A_90 = arith.constant 1 : i32
      %select_n3A_91 = arith.select %eq3A_89, %jit3A_90, %jit3A_88 : i32
      %rem3A_92 = arith.remsi %add3A_71, %select_n3A_91 : i32
      %ne3A_93 = arith.constant 0 : i32
      %ne3A_94 = arith.cmpi ne, %rem3A_92, %ne3A_93 : i32
      %lt3A_95 = arith.constant 0 : i32
      %lt3A_96 = arith.cmpi slt, %rem3A_92, %lt3A_95 : i32
      %lt3A_97 = arith.constant 0 : i32
      %lt3A_98 = arith.cmpi slt, %select_n3A_91, %lt3A_97 : i32
      %ne3A_99 = arith.xori %lt3A_96, %lt3A_98 : i1
      %and3A_100 = arith.andi %ne3A_99, %ne3A_94 : i1
      %add3A_101 = arith.addi %rem3A_92, %select_n3A_91 : i32
      %select_n3A_102 = arith.select %and3A_100, %add3A_101, %rem3A_92 : i32
      %dma_wait3A = arith.constant 0 : i32
      %dma_wait3A_103 = tpu.memref_slice %arg2[%select_n3A, %select_n3A_102, %dma_wait3A] : memref<25x8x16384xi32, #tpu.memory_space<hbm>> -> memref<1x1x16384xi32, #tpu.memory_space<hbm>>
      %dma_wait3A_104 = tpu.memref_squeeze %dma_wait3A_103 : memref<1x1x16384xi32, #tpu.memory_space<hbm>> -> memref<16384xi32, #tpu.memory_space<hbm>>
      %dma_wait3A_105 = arith.constant 0 : i32
      %dma_wait3A_106 = tpu.memref_slice %arg2[%select_n3A, %select_n3A_102, %dma_wait3A_105] : memref<25x8x16384xi32, #tpu.memory_space<hbm>> -> memref<1x1x16384xi32, #tpu.memory_space<hbm>>
      %dma_wait3A_107 = tpu.memref_squeeze %dma_wait3A_106 : memref<1x1x16384xi32, #tpu.memory_space<hbm>> -> memref<16384xi32, #tpu.memory_space<hbm>>
      tpu.wait_dma2 semaphore(%arg10 : memref<!tpu.dma_semaphore, #tpu.memory_space<semaphore_mem>>) src(%dma_wait3A_107 : memref<16384xi32, #tpu.memory_space<hbm>>) dst(%arg6 : memref<16384xi32, #tpu.memory_space<vmem>>)
      %add3A_108 = arith.constant 128 : i32
      %add3A_109 = arith.addi %add3A, %add3A_108 : i32
      %mul3A_110 = arith.constant 16384 : i32
      %mul3A_111 = arith.muli %add3A_109, %mul3A_110 : i32
      %dma_wait3A_112 = tpu.memref_slice %arg4[%mul3A_111] : memref<3276800xf32, #tpu.memory_space<hbm>> -> memref<16384xf32, #tpu.memory_space<hbm>>
      %dma_wait3A_113 = tpu.memref_slice %arg4[%mul3A_111] : memref<3276800xf32, #tpu.memory_space<hbm>> -> memref<16384xf32, #tpu.memory_space<hbm>>
      tpu.wait_dma2 semaphore(%arg12 : memref<!tpu.dma_semaphore, #tpu.memory_space<semaphore_mem>>) src(%arg8 : memref<16384xf32, #tpu.memory_space<vmem>>) dst(%dma_wait3A_113 : memref<16384xf32, #tpu.memory_space<hbm>>)
      %scan3A = arith.constant 0 : i32
      %scan3A_114 = arith.constant 0 : i32
      %scan3A_115 = arith.constant 128 : i32
      %scan3A_116 = arith.addi %scan3A_114, %scan3A_115 : i32
      %scan3A_117 = arith.constant 1 : i32
      %scan3A_118 = scf.for %scan3A_125 = %scan3A_114 to %scan3A_116 step %scan3A_117 iter_args(%scan3A_126 = %scan3A) -> (i32)  : i32 {
        %mul3A_127 = arith.constant 128 : i32
        %mul3A_128 = arith.muli %scan3A_125, %mul3A_127 : i32
        %add3A_129 = arith.constant 0 : i32
        %add3A_130 = arith.addi %mul3A_128, %add3A_129 : i32
        %get3A_131 = arith.index_cast %add3A_130 : i32 to index
        %get3A_132 = tpu.vector_load %arg6[%get3A_131] {strides = array<i32>} : memref<16384xi32, #tpu.memory_space<vmem>>, vector<16xi32>,
        %get3A_133 = vector.shape_cast %get3A_132 : vector<16xi32> to vector<16xi32>
        %broadcast_in_dim3A = vector.shape_cast %get3A_133 : vector<16xi32> to vector<16x1xi32>
        %gather3A = vector.shape_cast %broadcast_in_dim3A : vector<16x1xi32> to vector<16xi32>
        %gather3A_134 = tpu.dynamic_gather %get3A_2[%gather3A] in [0] : vector<16xf32>, vector<16xi32> -> vector<16xf32>
        %swap3A = arith.index_cast %add3A_130 : i32 to index
        %swap3A_135 = tpu.vector_load %arg8[%swap3A] {strides = array<i32>} : memref<16384xf32, #tpu.memory_space<vmem>>, vector<16xf32>,
        %swap3A_136 = vector.shape_cast %swap3A_135 : vector<16xf32> to vector<16xf32>
        %swap3A_137 = vector.shape_cast %gather3A_134 : vector<16xf32> to vector<16xf32>
        tpu.vector_store %arg8[%swap3A], %swap3A_137 {strides = array<i32>} : memref<16384xf32, #tpu.memory_space<vmem>>, vector<16xf32>,
        %mul3A_138 = arith.constant 128 : i32
        %mul3A_139 = arith.muli %scan3A_125, %mul3A_138 : i32
        %add3A_140 = arith.constant 16 : i32
        %add3A_141 = arith.addi %mul3A_139, %add3A_140 : i32
        %get3A_142 = arith.index_cast %add3A_141 : i32 to index
        %get3A_143 = tpu.vector_load %arg6[%get3A_142] {strides = array<i32>} : memref<16384xi32, #tpu.memory_space<vmem>>, vector<16xi32>,
        %get3A_144 = vector.shape_cast %get3A_143 : vector<16xi32> to vector<16xi32>
        %broadcast_in_dim3A_145 = vector.shape_cast %get3A_144 : vector<16xi32> to vector<16x1xi32>
        %gather3A_146 = vector.shape_cast %broadcast_in_dim3A_145 : vector<16x1xi32> to vector<16xi32>
        %gather3A_147 = tpu.dynamic_gather %get3A_2[%gather3A_146] in [0] : vector<16xf32>, vector<16xi32> -> vector<16xf32>
        %swap3A_148 = arith.index_cast %add3A_141 : i32 to index
        %swap3A_149 = tpu.vector_load %arg8[%swap3A_148] {strides = array<i32>} : memref<16384xf32, #tpu.memory_space<vmem>>, vector<16xf32>,
        %swap3A_150 = vector.shape_cast %swap3A_149 : vector<16xf32> to vector<16xf32>
        %swap3A_151 = vector.shape_cast %gather3A_147 : vector<16xf32> to vector<16xf32>
        tpu.vector_store %arg8[%swap3A_148], %swap3A_151 {strides = array<i32>} : memref<16384xf32, #tpu.memory_space<vmem>>, vector<16xf32>,
        %mul3A_152 = arith.constant 128 : i32
        %mul3A_153 = arith.muli %scan3A_125, %mul3A_152 : i32
        %add3A_154 = arith.constant 32 : i32
        %add3A_155 = arith.addi %mul3A_153, %add3A_154 : i32
        %get3A_156 = arith.index_cast %add3A_155 : i32 to index
        %get3A_157 = tpu.vector_load %arg6[%get3A_156] {strides = array<i32>} : memref<16384xi32, #tpu.memory_space<vmem>>, vector<16xi32>,
        %get3A_158 = vector.shape_cast %get3A_157 : vector<16xi32> to vector<16xi32>
        %broadcast_in_dim3A_159 = vector.shape_cast %get3A_158 : vector<16xi32> to vector<16x1xi32>
        %gather3A_160 = vector.shape_cast %broadcast_in_dim3A_159 : vector<16x1xi32> to vector<16xi32>
        %gather3A_161 = tpu.dynamic_gather %get3A_2[%gather3A_160] in [0] : vector<16xf32>, vector<16xi32> -> vector<16xf32>
        %swap3A_162 = arith.index_cast %add3A_155 : i32 to index
        %swap3A_163 = tpu.vector_load %arg8[%swap3A_162] {strides = array<i32>} : memref<16384xf32, #tpu.memory_space<vmem>>, vector<16xf32>,
        %swap3A_164 = vector.shape_cast %swap3A_163 : vector<16xf32> to vector<16xf32>
        %swap3A_165 = vector.shape_cast %gather3A_161 : vector<16xf32> to vector<16xf32>
        tpu.vector_store %arg8[%swap3A_162], %swap3A_165 {strides = array<i32>} : memref<16384xf32, #tpu.memory_space<vmem>>, vector<16xf32>,
        %mul3A_166 = arith.constant 128 : i32
        %mul3A_167 = arith.muli %scan3A_125, %mul3A_166 : i32
        %add3A_168 = arith.constant 48 : i32
        %add3A_169 = arith.addi %mul3A_167, %add3A_168 : i32
        %get3A_170 = arith.index_cast %add3A_169 : i32 to index
        %get3A_171 = tpu.vector_load %arg6[%get3A_170] {strides = array<i32>} : memref<16384xi32, #tpu.memory_space<vmem>>, vector<16xi32>,
        %get3A_172 = vector.shape_cast %get3A_171 : vector<16xi32> to vector<16xi32>
        %broadcast_in_dim3A_173 = vector.shape_cast %get3A_172 : vector<16xi32> to vector<16x1xi32>
        %gather3A_174 = vector.shape_cast %broadcast_in_dim3A_173 : vector<16x1xi32> to vector<16xi32>
        %gather3A_175 = tpu.dynamic_gather %get3A_2[%gather3A_174] in [0] : vector<16xf32>, vector<16xi32> -> vector<16xf32>
        %swap3A_176 = arith.index_cast %add3A_169 : i32 to index
        %swap3A_177 = tpu.vector_load %arg8[%swap3A_176] {strides = array<i32>} : memref<16384xf32, #tpu.memory_space<vmem>>, vector<16xf32>,
        %swap3A_178 = vector.shape_cast %swap3A_177 : vector<16xf32> to vector<16xf32>
        %swap3A_179 = vector.shape_cast %gather3A_175 : vector<16xf32> to vector<16xf32>
        tpu.vector_store %arg8[%swap3A_176], %swap3A_179 {strides = array<i32>} : memref<16384xf32, #tpu.memory_space<vmem>>, vector<16xf32>,
        %mul3A_180 = arith.constant 128 : i32
        %mul3A_181 = arith.muli %scan3A_125, %mul3A_180 : i32
        %add3A_182 = arith.constant 64 : i32
        %add3A_183 = arith.addi %mul3A_181, %add3A_182 : i32
        %get3A_184 = arith.index_cast %add3A_183 : i32 to index
        %get3A_185 = tpu.vector_load %arg6[%get3A_184] {strides = array<i32>} : memref<16384xi32, #tpu.memory_space<vmem>>, vector<16xi32>,
        %get3A_186 = vector.shape_cast %get3A_185 : vector<16xi32> to vector<16xi32>
        %broadcast_in_dim3A_187 = vector.shape_cast %get3A_186 : vector<16xi32> to vector<16x1xi32>
        %gather3A_188 = vector.shape_cast %broadcast_in_dim3A_187 : vector<16x1xi32> to vector<16xi32>
        %gather3A_189 = tpu.dynamic_gather %get3A_2[%gather3A_188] in [0] : vector<16xf32>, vector<16xi32> -> vector<16xf32>
        %swap3A_190 = arith.index_cast %add3A_183 : i32 to index
        %swap3A_191 = tpu.vector_load %arg8[%swap3A_190] {strides = array<i32>} : memref<16384xf32, #tpu.memory_space<vmem>>, vector<16xf32>,
        %swap3A_192 = vector.shape_cast %swap3A_191 : vector<16xf32> to vector<16xf32>
        %swap3A_193 = vector.shape_cast %gather3A_189 : vector<16xf32> to vector<16xf32>
        tpu.vector_store %arg8[%swap3A_190], %swap3A_193 {strides = array<i32>} : memref<16384xf32, #tpu.memory_space<vmem>>, vector<16xf32>,
        %mul3A_194 = arith.constant 128 : i32
        %mul3A_195 = arith.muli %scan3A_125, %mul3A_194 : i32
        %add3A_196 = arith.constant 80 : i32
        %add3A_197 = arith.addi %mul3A_195, %add3A_196 : i32
        %get3A_198 = arith.index_cast %add3A_197 : i32 to index
        %get3A_199 = tpu.vector_load %arg6[%get3A_198] {strides = array<i32>} : memref<16384xi32, #tpu.memory_space<vmem>>, vector<16xi32>,
        %get3A_200 = vector.shape_cast %get3A_199 : vector<16xi32> to vector<16xi32>
        %broadcast_in_dim3A_201 = vector.shape_cast %get3A_200 : vector<16xi32> to vector<16x1xi32>
        %gather3A_202 = vector.shape_cast %broadcast_in_dim3A_201 : vector<16x1xi32> to vector<16xi32>
        %gather3A_203 = tpu.dynamic_gather %get3A_2[%gather3A_202] in [0] : vector<16xf32>, vector<16xi32> -> vector<16xf32>
        %swap3A_204 = arith.index_cast %add3A_197 : i32 to index
        %swap3A_205 = tpu.vector_load %arg8[%swap3A_204] {strides = array<i32>} : memref<16384xf32, #tpu.memory_space<vmem>>, vector<16xf32>,
        %swap3A_206 = vector.shape_cast %swap3A_205 : vector<16xf32> to vector<16xf32>
        %swap3A_207 = vector.shape_cast %gather3A_203 : vector<16xf32> to vector<16xf32>
        tpu.vector_store %arg8[%swap3A_204], %swap3A_207 {strides = array<i32>} : memref<16384xf32, #tpu.memory_space<vmem>>, vector<16xf32>,
        %mul3A_208 = arith.constant 128 : i32
        %mul3A_209 = arith.muli %scan3A_125, %mul3A_208 : i32
        %add3A_210 = arith.constant 96 : i32
        %add3A_211 = arith.addi %mul3A_209, %add3A_210 : i32
        %get3A_212 = arith.index_cast %add3A_211 : i32 to index
        %get3A_213 = tpu.vector_load %arg6[%get3A_212] {strides = array<i32>} : memref<16384xi32, #tpu.memory_space<vmem>>, vector<16xi32>,
        %get3A_214 = vector.shape_cast %get3A_213 : vector<16xi32> to vector<16xi32>
        %broadcast_in_dim3A_215 = vector.shape_cast %get3A_214 : vector<16xi32> to vector<16x1xi32>
        %gather3A_216 = vector.shape_cast %broadcast_in_dim3A_215 : vector<16x1xi32> to vector<16xi32>
        %gather3A_217 = tpu.dynamic_gather %get3A_2[%gather3A_216] in [0] : vector<16xf32>, vector<16xi32> -> vector<16xf32>
        %swap3A_218 = arith.index_cast %add3A_211 : i32 to index
        %swap3A_219 = tpu.vector_load %arg8[%swap3A_218] {strides = array<i32>} : memref<16384xf32, #tpu.memory_space<vmem>>, vector<16xf32>,
        %swap3A_220 = vector.shape_cast %swap3A_219 : vector<16xf32> to vector<16xf32>
        %swap3A_221 = vector.shape_cast %gather3A_217 : vector<16xf32> to vector<16xf32>
        tpu.vector_store %arg8[%swap3A_218], %swap3A_221 {strides = array<i32>} : memref<16384xf32, #tpu.memory_space<vmem>>, vector<16xf32>,
        %mul3A_222 = arith.constant 128 : i32
        %mul3A_223 = arith.muli %scan3A_125, %mul3A_222 : i32
        %add3A_224 = arith.constant 112 : i32
        %add3A_225 = arith.addi %mul3A_223, %add3A_224 : i32
        %get3A_226 = arith.index_cast %add3A_225 : i32 to index
        %get3A_227 = tpu.vector_load %arg6[%get3A_226] {strides = array<i32>} : memref<16384xi32, #tpu.memory_space<vmem>>, vector<16xi32>,
        %get3A_228 = vector.shape_cast %get3A_227 : vector<16xi32> to vector<16xi32>
        %broadcast_in_dim3A_229 = vector.shape_cast %get3A_228 : vector<16xi32> to vector<16x1xi32>
        %gather3A_230 = vector.shape_cast %broadcast_in_dim3A_229 : vector<16x1xi32> to vector<16xi32>
        %gather3A_231 = tpu.dynamic_gather %get3A_2[%gather3A_230] in [0] : vector<16xf32>, vector<16xi32> -> vector<16xf32>
        %swap3A_232 = arith.index_cast %add3A_225 : i32 to index
        %swap3A_233 = tpu.vector_load %arg8[%swap3A_232] {strides = array<i32>} : memref<16384xf32, #tpu.memory_space<vmem>>, vector<16xf32>,
        %swap3A_234 = vector.shape_cast %swap3A_233 : vector<16xf32> to vector<16xf32>
        %swap3A_235 = vector.shape_cast %gather3A_231 : vector<16xf32> to vector<16xf32>
        tpu.vector_store %arg8[%swap3A_232], %swap3A_235 {strides = array<i32>} : memref<16384xf32, #tpu.memory_space<vmem>>, vector<16xf32>,
        %scan3A_236 = arith.constant 0 : i32
        scf.yield %scan3A_236 : i32
      }
      %scan3A_119 = arith.constant 128 : i32
      %add3A_120 = arith.constant 192 : i32
      %add3A_121 = arith.addi %add3A, %add3A_120 : i32
      %mul3A_122 = arith.constant 16384 : i32
      %mul3A_123 = arith.muli %add3A_121, %mul3A_122 : i32
      %dma_start3A = tpu.memref_slice %arg4[%mul3A_123] : memref<3276800xf32, #tpu.memory_space<hbm>> -> memref<16384xf32, #tpu.memory_space<hbm>>
      %dma_start3A_124 = tpu.memref_slice %arg4[%mul3A_123] : memref<3276800xf32, #tpu.memory_space<hbm>> -> memref<16384xf32, #tpu.memory_space<hbm>>
      tpu.enqueue_dma source(%arg8 : memref<16384xf32, #tpu.memory_space<vmem>>) target(%dma_start3A_124 : memref<16384xf32, #tpu.memory_space<hbm>>) target_semaphore(%arg12 : memref<!tpu.dma_semaphore, #tpu.memory_space<semaphore_mem>>)
    } else {
    }
    %add3A_56 = arith.constant 160 : i32
    %add3A_57 = arith.addi %add3A, %add3A_56 : i32
    %lt3A_58 = arith.constant 200 : i32
    %lt3A_59 = arith.cmpi slt, %add3A_57, %lt3A_58 : i32
    %convert_element_type3A_60 = arith.extui %lt3A_59 : i1 to i32
    %cond3A_61 = arith.constant 0 : i32
    %cond3A_62 = arith.cmpi ne, %convert_element_type3A_60, %cond3A_61 : i32
    scf.if %cond3A_62 {
      %add3A_70 = arith.constant 160 : i32
      %add3A_71 = arith.addi %add3A, %add3A_70 : i32
      %mul3A_72 = arith.constant 16384 : i32
      %mul3A_73 = arith.muli %add3A_71, %mul3A_72 : i32
      %dma_wait3A = tpu.memref_slice %arg4[%mul3A_73] : memref<3276800xf32, #tpu.memory_space<hbm>> -> memref<16384xf32, #tpu.memory_space<hbm>>
      %dma_wait3A_74 = tpu.memref_slice %arg4[%mul3A_73] : memref<3276800xf32, #tpu.memory_space<hbm>> -> memref<16384xf32, #tpu.memory_space<hbm>>
      tpu.wait_dma2 semaphore(%arg13 : memref<!tpu.dma_semaphore, #tpu.memory_space<semaphore_mem>>) src(%arg9 : memref<16384xf32, #tpu.memory_space<vmem>>) dst(%dma_wait3A_74 : memref<16384xf32, #tpu.memory_space<hbm>>)
    } else {
    }
    %add3A_63 = arith.constant 192 : i32
    %add3A_64 = arith.addi %add3A, %add3A_63 : i32
    %lt3A_65 = arith.constant 200 : i32
    %lt3A_66 = arith.cmpi slt, %add3A_64, %lt3A_65 : i32
    %convert_element_type3A_67 = arith.extui %lt3A_66 : i1 to i32
    %cond3A_68 = arith.constant 0 : i32
    %cond3A_69 = arith.cmpi ne, %convert_element_type3A_67, %cond3A_68 : i32
    scf.if %cond3A_69 {
      %add3A_70 = arith.constant 192 : i32
      %add3A_71 = arith.addi %add3A, %add3A_70 : i32
      %mul3A_72 = arith.constant 16384 : i32
      %mul3A_73 = arith.muli %add3A_71, %mul3A_72 : i32
      %dma_wait3A = tpu.memref_slice %arg4[%mul3A_73] : memref<3276800xf32, #tpu.memory_space<hbm>> -> memref<16384xf32, #tpu.memory_space<hbm>>
      %dma_wait3A_74 = tpu.memref_slice %arg4[%mul3A_73] : memref<3276800xf32, #tpu.memory_space<hbm>> -> memref<16384xf32, #tpu.memory_space<hbm>>
      tpu.wait_dma2 semaphore(%arg12 : memref<!tpu.dma_semaphore, #tpu.memory_space<semaphore_mem>>) src(%arg8 : memref<16384xf32, #tpu.memory_space<vmem>>) dst(%dma_wait3A_74 : memref<16384xf32, #tpu.memory_space<hbm>>)
    } else {
    }
    return
  }
}

</mosaic_0001>

<sc_bundles>
// kernel: kernel.3.cloned.1.call-start
scs
__scs_entry_jumppad:
0x0: {  	(pc) =	sbr.rel $0x88, $3  }
0x1: {  	(tag) =	ssettag $0x0;
	lr =	simm.s32 $0x1  }
0x2: {  	[smem:$0x3F9F] =	sst lr;
	_ =	strace $0xD0000000  }
0x3: {  	_ = 	snop  }
0x4: {  	_ = 	snop  }
0x5: {  	_ = 	snop  }
0x6: {  	_ = 	snop  }
0x7: {  	_ = 	snop  }
__scs_overlays_trampoline_lowered:
0x8: {  	[smem:$0x3FAE] =	sst s0  }
0x9: {  	[smem:$0x3FAF] =	sst s1  }
0xa: {  	[smem:$0x3FB0] =	sst s2  }
0xb: {  	[smem:$0x3FB1] =	sst s3  }
0xc: {  	[smem:$0x3FB2] =	sst s4  }
0xd: {  	[smem:$0x3FB3] =	sst s5  }
0xe: {  	[smem:$0x3FB4] =	sst s6  }
0xf: {  	[smem:$0x3FB5] =	sst s7  }
0x10: {  	[smem:$0x3FB6] =	sst s8  }
0x11: {  	[smem:$0x3FB7] =	sst s9;
	s0 =	simm.s32 @!p0 $0x0  }
0x12: {  	s1 =	sld [smem:$0x3F9D];
	s0 =	simm.s32 @p0 $0x1  }
0x13: {  	[smem:$0x3FB8] =	sst s0;
	s0 =	simm.s32 @!p1 $0x0  }
0x14: {  	s2 =	sld [smem:$0x3F9C];
	s0 =	simm.s32 @p1 $0x1  }
0x15: {  	[smem:$0x3FB9] =	sst s0;
	s0 =	simm.s32 @!p2 $0x0  }
0x16: {  	s3 =	sld [smem:$0x3FDB];
	s0 =	simm.s32 @p2 $0x1  }
0x17: {  	s4 =	simm.s32 $0x1BF5;
	[smem:$0x3FBB] =	sst s0  }
0x18: {  	s0 =	sld [smem:$0x3F9E];
	_ =	swait.ge [sflag:s4], $0x0  }
0x19: {  	s7 =	sld [smem:$0x3F9F]  }
0x1a: {  	s8 =	sadd.s32 $0xFFFFE003, lr  }
0x1b: {  	s9 =	sadd.s32 $0xFFFFFEF7, lr;
	s5 =	simm.s32 $0xFFFFFFFF;
	p2 =	slt.u32 s8, $0xFFFFF086  }
0x1c: {  	p1 =	slt.u32 s9, $0xF7A;
	s5 =	simm.s32 @!p2 $0x0  }
0x1d: {  	s5 =	simm.s32 @p1 $0x1;
	p0 =	seq.s32 s7, s2  }
0x1e: {  	s7 =	smul.u32 @!p0 $0xF7A, s2;
	p2 =	seq.s32 @!p0 s5, $0x0  }
0x1f: {  	s9 =	smul.u32 $0xF7A, s1;
	s8 =	simm.s32 @!p0 $0x1BF5;
	p2 =	por !p2, p0  }
0x20: {  	[sflag:s8] =	ssyncset.s32 @!p0 $0xFFFFF086;
	s6 =	sadd.s32 @!p0 s3, s7;
	s7 =	simm.s32 @!p0 $0x108  }
0x21: {  	s3 =	sadd.s32 s3, s9;
	s6 =	sadd.s32 @!p0 $0x88, s6;
	s7 =	simm.s32 @p2 $0x1082  }
0x22: {  	[simem:s7], [sflag:s8] =	dma.local @!p0 [hbm:s6], $0xF7A  }
0x23: {  	s9 =	sor.u32 $0xD0000000, s2;
	s6 =	simm.s32 $0x108;
	_ =	swait.ge @!p0 [sflag:s8], $0x0  }
0x24: {  	s3 =	sadd.s32 $0x88, s3;
	s6 =	simm.s32 @!p1 $0x1082;
	[sflag:s4] =	ssyncset.s32 $0xFFFFF086  }
0x25: {  	[simem:s6], [sflag:s4] =	dma.local [hbm:s3], $0xF7A  }
0x26: {  	[smem:$0x3F9F] =	sst s1;
	(tag) =	ssettag s2;
	_ =	strace s9  }
0x27: {  	s1 =	sld [smem:$0x3FAF]  }
0x28: {  	s2 =	sld [smem:$0x3FB0]  }
0x29: {  	s4 =	sld [smem:$0x3FB2]  }
0x2a: {  	p0 =	seq.s32 s5, $0x0;
	s5 =	sld [smem:$0x3FB3]  }
0x2b: {  	s6 =	sld [smem:$0x3FB4]  }
0x2c: {  	s7 =	sld [smem:$0x3FB5]  }
0x2d: {  	s3 =	simm.s32 $0x108;
	s8 =	sld [smem:$0x3FB6]  }
0x2e: {  	s3 =	simm.s32 @!p0 $0x1082;
	s9 =	sld [smem:$0x3FB7]  }
0x2f: {  	lr =	sadd.s32 s0, s3;
	s0 =	sld [smem:$0x3FAE]  }
0x30: {  	s3 =	sld [smem:$0x3FB1]  }
0x31: {  	[smem:$0x3FBA] =	sst s10  }
0x32: {  	s10 =	sld [smem:$0x3FB8];
	_ =	sdelay $0x3  }
0x33: {  	p0 =	seq.s32 s10, $0x1;
	s10 =	sld [smem:$0x3FBA];
	_ =	sdelay $0x3  }
0x34: {  	[smem:$0x3FBA] =	sst s10  }
0x35: {  	s10 =	sld [smem:$0x3FB9];
	_ =	sdelay $0x3  }
0x36: {  	p1 =	seq.s32 s10, $0x1;
	s10 =	sld [smem:$0x3FBA];
	_ =	sdelay $0x3  }
0x37: {  	[smem:$0x3FBA] =	sst s10  }
0x38: {  	s10 =	sld [smem:$0x3FBB]  }
0x39: {  	_ = 	snop;
	(pc) =	sbr.ind lr, $3  }
0x3a: {  	_ = 	snop  }
0x3b: {  	_ = 	snop  }
0x3c: {  	p2 =	seq.s32 s10, $0x1;
	s10 =	sld [smem:$0x3FBA]  }
0x3d: {  	_ =	shalt  }
0x3e: {  	_ =	shalt  }
0x3f: {  	_ =	shalt  }
0x40: {  	_ =	shalt  }
0x41: {  	_ =	shalt  }
0x42: {  	_ =	shalt  }
0x43: {  	_ =	shalt  }
0x44: {  	_ =	shalt  }
0x45: {  	_ =	shalt  }
0x46: {  	_ =	shalt  }
0x47: {  	_ =	shalt  }
0x48: {  	_ =	shalt  }
0x49: {  	_ =	shalt  }
0x4a: {  	_ =	shalt  }
0x4b: {  	_ =	shalt  }
0x4c: {  	_ =	shalt  }
0x4d: {  	_ =	shalt  }
0x4e: {  	_ =	shalt  }
0x4f: {  	_ =	shalt  }
0x50: {  	_ =	shalt  }
0x51: {  	_ =	shalt  }
0x52: {  	_ =	shalt  }
0x53: {  	_ =	shalt  }
0x54: {  	_ =	shalt  }
0x55: {  	_ =	shalt  }
0x56: {  	_ =	shalt  }
0x57: {  	_ =	shalt  }
0x58: {  	_ =	shalt  }
0x59: {  	_ =	shalt  }
0x5a: {  	_ =	shalt  }
0x5b: {  	_ =	shalt  }
0x5c: {  	_ =	shalt  }
0x5d: {  	_ =	shalt  }
0x5e: {  	_ =	shalt  }
0x5f: {  	_ =	shalt  }
0x60: {  	_ =	shalt  }
0x61: {  	_ =	shalt  }
0x62: {  	_ =	shalt  }
0x63: {  	_ =	shalt  }
0x64: {  	_ =	shalt  }
0x65: {  	_ =	shalt  }
0x66: {  	_ =	shalt  }
0x67: {  	_ =	shalt  }
0x68: {  	_ =	shalt  }
0x69: {  	_ =	shalt  }
0x6a: {  	_ =	shalt  }
0x6b: {  	_ =	shalt  }
0x6c: {  	_ =	shalt  }
0x6d: {  	_ =	shalt  }
0x6e: {  	_ =	shalt  }
0x6f: {  	_ =	shalt  }
0x70: {  	_ =	shalt  }
0x71: {  	_ =	shalt  }
0x72: {  	_ =	shalt  }
0x73: {  	_ =	shalt  }
0x74: {  	_ =	shalt  }
0x75: {  	_ =	shalt  }
0x76: {  	_ =	shalt  }
0x77: {  	_ =	shalt  }
0x78: {  	_ =	shalt  }
0x79: {  	_ =	shalt  }
0x7a: {  	_ =	shalt  }
0x7b: {  	_ =	shalt  }
0x7c: {  	_ =	shalt  }
0x7d: {  	_ =	shalt  }
0x7e: {  	_ =	shalt  }
0x7f: {  	_ =	shalt  }
0x80: {  	_ =	shalt  }
0x81: {  	_ =	shalt  }
0x82: {  	_ =	shalt  }
0x83: {  	_ =	shalt  }
0x84: {  	_ =	shalt  }
0x85: {  	_ =	shalt  }
0x86: {  	_ =	shalt  }
0x87: {  	_ =	shalt  }
.Lfunc_end0:
.L_simem_size_0:
called_computation_lowered:
.L_overlay_start_0:
0x88: {  	s2 =	sld [smem:$0x3FD9]  }
0x89: {  	s3 =	sld [smem:$0x3FFE];
	_ =	sdelay $0x1  }
0x8a: {  	s1 =	srdreg.scid  }
0x8b: {  	s0 =	sand.u32 $0x1, s1  }
0x8c: {  	s17 =	sshll.u32 s0, $0xA;
	s2 =	sadd.s32 s3, s2  }
0x8d: {  	s2 =	sadd.s32 s2, s17  }
0x8e: {  	[smem:$0x3FC6] =	sst s2  }
0x8f: {  	_ = 	snop  }
0x90: {  	s2 =	sld [smem:$0x3FC9]  }
0x91: {  	s18 =	sld [smem:$0x3FD0];
	(tm) =	ssettm $0x1  }
0x92: {  	s4 =	sld [smem:$0x3FFB];
	_ =	sdelay $0x3  }
0x93: {  	_ =	strace s4  }
0x94: {  	s4 =	sld [smem:$0x3FFC];
	_ =	sdelay $0x3  }
0x95: {  	_ =	strace s4  }
0x96: {  	s4 =	sld [smem:$0x3FFD];
	_ =	sdelay $0x3  }
0x97: {  	_ =	strace s4  }
0x98: {  	_ =	strace $0x8FFFFFFF  }
0x99: {  	s19 =	sld [smem:$0x3FDB];
	_ =	sdelay $0x1  }
0x9a: {  	s5 =	simm.s32 $_scs_section_size  }
0x9b: {  	s6 =	simm.s32 $_size__tile_overlayer_lowered;
	s7 =	simm.s32 $_tile_overlayer_lowered  }
0x9c: {  	s22 =	simm.s32 $0x1BFF;
	s21 =	sshll.u32 s7, $0x1;
	s4 =	sadd.s32 s5, s19  }
0x9d: {  	s8 =	simm.s32 $0x0;
	s20 =	sshll.u32 s6, $0x1;
	s6 =	sadd.s32 s21, s4  }
0x9e: {  	[timem:s8], [sflag:s22] =	dma.local [hbm:s6], s20  }
0x9f: {  	_ =	swait.ge [sflag:s22], s20  }
0xa0: {  	s5 =	ssub.s32 $0x0, s20;
	[sflag:s22] =	ssyncset.done $0x0  }
0xa1: {  	[sflag:s22] =	ssyncadd.s32 s5;
	_ =	sdelay $0x1  }
0xa2: {  	s23 =	simm.s32 $0x1B8B  }
0xa3: {  	_ =	swait.ge [sflag:s23], $0x1  }
0xa4: {  	[sflag:s23] =	ssyncset.done $0x0  }
0xa5: {  	s25 =	simm.s32 $0x1B8E;
	s24 =	sld [smem:$0x3FFE];
	[sflag:s23] =	ssyncadd.s32 $0xFFFFFFFF  }
0xa6: {  	s26 =	simm.s32 $execute0_lowered;
	[smem:$0x3FD2] =	sst s25  }
0xa7: {  	s6 =	sshll.u32 s26, $0x1;
	_ =	strace $0x80000046;
	[dreg:$0x1] =	wrdreg $0xFFFFFFFF  }
0xa8: {  	s28 =	simm.s32 $_size_execute0_lowered;
	s4 =	sadd.s32 s4, s6;
	[dreg:$0x0] =	wrdreg $0x0  }
0xa9: {  	s6 =	sshll.u32 s28, $0x1;
	[dreg:$0x2] =	wrdreg s4  }
0xaa: {  	[dreg:$0x3] =	wrdreg s6  }
0xab: {  	[dreg:$0x4] =	wrdreg $0xC0  }
0xac: {  	_ =	task [dreg:s8], $0x5FFFF  }
0xad: {  	[dreg:$0x1] =	wrdreg $0xFFFFFFFF  }
0xae: {  	[dreg:$0x0] =	wrdreg $0x60  }
0xaf: {  	[dreg:$0x2] =	wrdreg s2  }
0xb0: {  	[dreg:$0x3] =	wrdreg s24  }
0xb1: {  	[dreg:$0x4] =	wrdreg s18  }
0xb2: {  	[dreg:$0x5] =	wrdreg $0x9  }
0xb3: {  	_ =	task.clear_ibuf [dreg:s8], $0x6FFFF;
	_ =	strace $0x90000046  }
0xb4: {  	s29 =	simm.s32 $0x9;
	_ =	strace $0x80000048  }
0xb5: {  	_ =	swait.ge [sflag:s29], $0x1  }
0xb6: {  	[sflag:s29] =	ssyncadd.s32 $0xFFFFFFFF  }
0xb7: {  	_ =	strace $0x90000048  }
0xb8: {  	_ =	sfence  }
0xb9: {  	s30 =	sld [smem:$0x0];
	_ =	sdelay $0x2  }
0xba: {  	s31 =	sshll.u32 s1, $0xD;
	s1 =	sshrl.u32 s1, $0x2  }
0xbb: {  	s3 =	sand.u32 $0x4000, s31;
	s1 =	sadd.s32 s1, s30  }
0xbc: {  	s0 =	sor.u32 s3, s0;
	s1 =	sshll.u32 s1, $0x11  }
0xbd: {  	s0 =	sor.u32 s1, s0  }
0xbe: {  	s0 =	sadd.s32 $0x8F2B, s0  }
0xbf: {  	[sflag:s0] =	ssyncadd.remote.s32 $0x1  }
0xc0: {  	_ =	sfence.sel $0xFFFF  }
0xc1: {  	[dreg:$0x0] =	wrdreg $0xFFFFFFFF;
	(pc) =	sbr.abs _section_cstart, $3  }
0xc2: {  	[dreg:$0x1] =	wrdreg $0xFFFFFFFF  }
0xc3: {  	_ =	task.clear_ibuf [dreg:s8], $0x2FFFF;
	_ =	strace $0x9FFFFFFF  }
0xc4: {  	(tm) =	ssettm $0x7FFFFFFF  }
0xc5: {  	_ =	shalt  }
tec
execute0_lowered:
.L_overlay_start_1:
0x0: {  	(tag) =	ssettag $0x1  }
0x1: {  	s0 =	rddreg [dreg:$0x0]  }
0x2: {  	s1 =	rddreg [dreg:$0x1]  }
0x3: {  	s2 =	srdreg.scid;
	s26 =	stileid.u32  }
0x4: {  	s6 =	rddreg [dreg:$0x2];
	s19 =	simm.s32 $0x5;
	s20 =	simm.s32 $0x400  }
0x5: {  	s21 =	simm.s32 $0x80;
	s22 =	simm.s32 $0x1;
	s23 =	simm.s32 $0x4080  }
0x6: {  	s28 =	simm.s32 $0x3;
	s29 =	simm.s32 $0x4;
	s30 =	simm.s32 $0x0  }
0x7: {  	s3 =	sand.u32 $0x1, s2;
	s4 =	sshll.u32 s26, $0x1;
	s2 =	simm.s32 $0x0  }
0x8: {  	s24 =	sshll.u32 s26, $0xC;
	p0 =	sgt.u32 s26, $0x3;
	s26 =	simm.s32 $0xC080  }
0x9: {  	s5 =	sor.u32 s3, s4;
	[smem:$0x7FF] =	sst s2;
	s7 =	ssub.s32 $0x2, s3  }
0xa: {  	s3 =	sadd.s32 $0x400, s1;
	s13 =	sshll.u32 s5, $0x4;
	_ =	strace $0x80000047  }
0xb: {  	s25 =	sshrl.u32 s7, $0x1;
	s31 =	sshll.u32 s5, $0xB;
	s4 =	sor.u32 s24, s13  }
0xc: {  	s1 =	ssub.s32 s7, s25;
	s6 =	sadd.s32 s6, s31;
	s24 =	simm.s32 $0x8080  }
0xd: {  	s25 =	simm.s32 $0x2;
	s4 =	sand.u32 $0xC070, s4;
	s8 =	sadd.s32 $0x10000, s6  }
.Ltmp0:
0xe: {  	s10 =	sadd.s32 $0x20000, s6;
	s12 =	sadd.s32 $0x30000, s6;
	(pc) =	sbr.rel .LBB2_1-.Ltmp0, $4  }
0xf: {  	s14 =	sadd.s32 $0x40000, s6;
	s16 =	sadd.s32 $0x50000, s6;
	s17 =	sadd.s32 $0x60000, s6  }
0x10: {  	s18 =	smax.u32 s1, $0x1;
	s4 =	sadd.s32 s0, s4;
	s0 =	sadd.s32 s13, s0  }
0x11: {  	s5 =	sadd.s32 $0x10000, s4;
	s7 =	sadd.s32 $0x20000, s4;
	s9 =	sadd.s32 $0x30000, s4  }
0x12: {  	s11 =	sadd.s32 $0x40000, s4;
	s13 =	sadd.s32 $0x50000, s4;
	s15 =	sadd.s32 $0x60000, s0  }
.LBB2_16:
0x13: {  	v8 =	vld [tilespmem:s31+$0xF0];
	[tilespmem:s1+$0x8080] =	vst v6;
	v5 =	vperm.xlane v0, v5  }
0x14: {  	v4 =	vperm.xlane v0, v4;
	v6 =	vld [tilespmem:s31+$0x80];
	[tilespmem:s1+$0x8090] =	vst v7  }
0x15: {  	v1 =	vperm.xlane v0, v1;
	v7 =	vld [tilespmem:s31+$0x90];
	[tilespmem:s1+$0x80A0] =	vst v5  }
0x16: {  	v2 =	vperm.xlane v0, v2;
	v5 =	vld [tilespmem:s31+$0xA0];
	[tilespmem:s1+$0x80B0] =	vst v4  }
0x17: {  	v3 =	vperm.xlane v0, v3;
	v4 =	vld [tilespmem:s31+$0xB0];
	[tilespmem:s1+$0x80C0] =	vst v1  }
0x18: {  	v1 =	vld [tilespmem:s31+$0xC0];
	[tilespmem:s1+$0x80D0] =	vst v2;
	v8 =	vperm.xlane v0, v8  }
0x19: {  	v2 =	vld [tilespmem:s31+$0xD0];
	[tilespmem:s1+$0x80E0] =	vst v3;
	v60 =	vperm.xlane v0, v6  }
0x1a: {  	v61 =	vld [tilespmem:s31+$0xE0];
	v7 =	vperm.xlane v0, v7;
	[tilespmem:s31+$0x80F0] =	vst v8  }
0x1b: {  	[tilespmem:s31+$0x8080] =	vst v60;
	v62 =	vperm.xlane v0, v5  }
0x1c: {  	[tilespmem:s31+$0x8090] =	vst v7;
	v4 =	vperm.xlane v0, v4  }
0x1d: {  	[tilespmem:s31+$0x80A0] =	vst v62;
	v1 =	vperm.xlane v0, v1  }
0x1e: {  	[tilespmem:s31+$0x80B0] =	vst v4;
	v2 =	vperm.xlane v0, v2  }
0x1f: {  	[tilespmem:s31+$0x80C0] =	vst v1;
	v63 =	vperm.xlane v0, v61  }
0x20: {  	[tilespmem:s31+$0x80D0] =	vst v2  }
0x21: {  	[tilespmem:s31+$0x80E0] =	vst v63  }
0x22: {  	[hbm4b:s17+s2] =	stream.linear.scatter [tilespmem:s24], [sflag:$0x3], $0x4000, $0x38;
	[tilespmem:$0x10080] =	vst v63  }
0x23: {  	_ =	swait.ge [sflag:s29], $0x4000  }
0x24: {  	[sflag:s29] =	ssyncset.done $0x0  }
0x25: {  	s0 =	simm.s32 $0x3;
	[sflag:s29] =	ssyncadd.s32 $0xFFFFC000  }
.LBB2_17:
0x26: {  	s30 =	sadd.s32 $0x1, s30  }
0x27: {  	p1 =	sne.s32 s30, s18  }
.Ltmp1:
0x28: {  	_ = 	snop;
	(pc) =	sbr.rel @!p1 .LBB2_18-.Ltmp1, $4  }
0x29: {  	_ = 	snop  }
0x2a: {  	_ =	swait.ge [sflag:s0], $0x4000  }
0x2b: {  	[sflag:s0] =	ssyncset.done $0x0  }
0x2c: {  	[sflag:s0] =	ssyncadd.s32 $0xFFFFC000  }
.LBB2_1:
0x2d: {  	[tilespmem:s2], [sflag:$0x5] =	stream.linear.gather [hbm4b:s3+s2], $0x80, $0x38;
	[tilespmem:$0x10080] =	vst v63  }
0x2e: {  	_ =	swait.ge [sflag:s19], $0x80  }
0x2f: {  	[sflag:s19] =	ssyncset.done $0x0  }
0x30: {  	[sflag:s19] =	ssyncadd.s32 $0xFFFFFF80  }
0x31: {  	v0 =	vld [tilespmem:$0x0];
	[tilespmem:s21], [sflag:$0x1] =	stream.strided.gather [hbm4b:s4+s21], $0x4000, s20, s21, $0x38  }
0x32: {  	_ =	swait.ge [sflag:s22], $0x4000  }
0x33: {  	[sflag:s22] =	ssyncset.done $0x0  }
0x34: {  	s1 =	simm.s32 $0x0;
	[sflag:s22] =	ssyncadd.s32 $0xFFFFC000  }
0x35: {  	[tilespmem:s23], [sflag:$0x2] =	stream.strided.gather [hbm4b:s5+s21], $0x4000, s20, s21, $0x38;
	[tilespmem:$0x10080] =	vst v63  }
0x36: {  	v2 =	vld [tilespmem:s1+$0xF0]  }
0x37: {  	v6 =	vld [tilespmem:s1+$0x80]  }
0x38: {  	v7 =	vld [tilespmem:s1+$0x90]  }
0x39: {  	v5 =	vld [tilespmem:s1+$0xA0]  }
0x3a: {  	v4 =	vld [tilespmem:s1+$0xB0]  }
0x3b: {  	v1 =	vld [tilespmem:s1+$0xC0];
	v8 =	vperm.xlane v0, v2  }
0x3c: {  	v2 =	vld [tilespmem:s1+$0xD0];
	v6 =	vperm.xlane v0, v6  }
0x3d: {  	s31 =	simm.s32 $0x80;
	s0 =	simm.s32 $0x400;
	v3 =	vld [tilespmem:s1+$0xE0];
	v7 =	vperm.xlane v0, v7;
	[tilespmem:s1+$0x80F0] =	vst v8  }
.LBB2_2:
0x3e: {  	p1 =	sne.s32 s0, $0xFE00;
	v8 =	vld [tilespmem:s31+$0xF0];
	[tilespmem:s1+$0x8080] =	vst v6;
	v5 =	vperm.xlane v0, v5  }
0x3f: {  	v6 =	vld [tilespmem:s31+$0x80];
	[tilespmem:s1+$0x8090] =	vst v7;
	v4 =	vperm.xlane v0, v4  }
0x40: {  	v7 =	vld [tilespmem:s31+$0x90];
	[tilespmem:s1+$0x80A0] =	vst v5;
	v1 =	vperm.xlane v0, v1  }
.Ltmp2:
0x41: {  	v5 =	vld [tilespmem:s31+$0xA0];
	[tilespmem:s1+$0x80B0] =	vst v4;
	v2 =	vperm.xlane v0, v2;
	(pc) =	sbr.rel @p1 .LBB2_2-.Ltmp2, $4  }
0x42: {  	v4 =	vld [tilespmem:s31+$0xB0];
	[tilespmem:s1+$0x80C0] =	vst v1;
	v3 =	vperm.xlane v0, v3  }
0x43: {  	v1 =	vld [tilespmem:s31+$0xC0];
	v8 =	vperm.xlane v0, v8;
	[tilespmem:s1+$0x80D0] =	vst v2  }
0x44: {  	v6 =	vperm.xlane v0, v6;
	v2 =	vld [tilespmem:s31+$0xD0];
	[tilespmem:s1+$0x80E0] =	vst v3;
	s1 =	smov.u32 s31  }
0x45: {  	s31 =	sshra.s32 s0, $0x2;
	s0 =	sadd.s32 $0x200, s0;
	v7 =	vperm.xlane v0, v7;
	v3 =	vld [tilespmem:s1+$0xE0];
	[tilespmem:s1+$0x80F0] =	vst v8  }
0x46: {  	v8 =	vld [tilespmem:s31+$0xF0];
	[tilespmem:s1+$0x8080] =	vst v6;
	v5 =	vperm.xlane v0, v5  }
0x47: {  	v6 =	vld [tilespmem:s31+$0x80];
	[tilespmem:s1+$0x8090] =	vst v7;
	v4 =	vperm.xlane v0, v4  }
0x48: {  	v7 =	vld [tilespmem:s31+$0x90];
	[tilespmem:s1+$0x80A0] =	vst v5;
	v1 =	vperm.xlane v0, v1  }
0x49: {  	v5 =	vld [tilespmem:s31+$0xA0];
	[tilespmem:s1+$0x80B0] =	vst v4;
	v2 =	vperm.xlane v0, v2  }
0x4a: {  	v4 =	vld [tilespmem:s31+$0xB0];
	[tilespmem:s1+$0x80C0] =	vst v1;
	v3 =	vperm.xlane v0, v3  }
0x4b: {  	v1 =	vld [tilespmem:s31+$0xC0];
	[tilespmem:s1+$0x80D0] =	vst v2;
	v8 =	vperm.xlane v0, v8  }
0x4c: {  	v2 =	vld [tilespmem:s31+$0xD0];
	[tilespmem:s1+$0x80E0] =	vst v3;
	v3 =	vperm.xlane v0, v6  }
0x4d: {  	v6 =	vld [tilespmem:s31+$0xE0];
	v7 =	vperm.xlane v0, v7;
	[tilespmem:s31+$0x80F0] =	vst v8  }
0x4e: {  	[tilespmem:s31+$0x8080] =	vst v3;
	v3 =	vperm.xlane v0, v5  }
0x4f: {  	[tilespmem:s31+$0x8090] =	vst v7;
	v4 =	vperm.xlane v0, v4  }
0x50: {  	[tilespmem:s31+$0x80A0] =	vst v3;
	v1 =	vperm.xlane v0, v1  }
0x51: {  	[tilespmem:s31+$0x80B0] =	vst v4;
	v2 =	vperm.xlane v0, v2  }
0x52: {  	[tilespmem:s31+$0x80C0] =	vst v1;
	v1 =	vperm.xlane v0, v6  }
0x53: {  	[tilespmem:s31+$0x80D0] =	vst v2  }
0x54: {  	s0 =	simm.s32 $0x0;
	[tilespmem:s31+$0x80E0] =	vst v1  }
0x55: {  	[hbm4b:s6+s0] =	stream.linear.scatter [tilespmem:s24], [sflag:$0x3], $0x4000, $0x38;
	[tilespmem:$0x10080] =	vst v63  }
0x56: {  	_ =	swait.ge [sflag:s25], $0x4000  }
0x57: {  	[sflag:s25] =	ssyncset.done $0x0  }
0x58: {  	s1 =	simm.s32 $0x0;
	[sflag:s25] =	ssyncadd.s32 $0xFFFFC000  }
0x59: {  	[tilespmem:s21], [sflag:$0x1] =	stream.strided.gather [hbm4b:s7+s21], $0x4000, s20, s21, $0x38;
	[tilespmem:$0x10080] =	vst v63  }
0x5a: {  	v2 =	vld [tilespmem:s1+$0x40F0]  }
0x5b: {  	v6 =	vld [tilespmem:s1+$0x4080]  }
0x5c: {  	v7 =	vld [tilespmem:s1+$0x4090]  }
0x5d: {  	v5 =	vld [tilespmem:s1+$0x40A0]  }
0x5e: {  	v4 =	vld [tilespmem:s1+$0x40B0]  }
0x5f: {  	v1 =	vld [tilespmem:s1+$0x40C0];
	v8 =	vperm.xlane v0, v2  }
0x60: {  	v2 =	vld [tilespmem:s1+$0x40D0];
	v6 =	vperm.xlane v0, v6  }
0x61: {  	s31 =	simm.s32 $0x80;
	s0 =	simm.s32 $0x400;
	v3 =	vld [tilespmem:s1+$0x40E0];
	v7 =	vperm.xlane v0, v7;
	[tilespmem:s1+$0xC0F0] =	vst v8  }
.LBB2_4:
0x62: {  	p1 =	sne.s32 s0, $0xFE00;
	v8 =	vld [tilespmem:s31+$0x40F0];
	[tilespmem:s1+$0xC080] =	vst v6;
	v5 =	vperm.xlane v0, v5  }
0x63: {  	v6 =	vld [tilespmem:s31+$0x4080];
	[tilespmem:s1+$0xC090] =	vst v7;
	v4 =	vperm.xlane v0, v4  }
0x64: {  	v7 =	vld [tilespmem:s31+$0x4090];
	[tilespmem:s1+$0xC0A0] =	vst v5;
	v1 =	vperm.xlane v0, v1  }
.Ltmp3:
0x65: {  	v5 =	vld [tilespmem:s31+$0x40A0];
	[tilespmem:s1+$0xC0B0] =	vst v4;
	v2 =	vperm.xlane v0, v2;
	(pc) =	sbr.rel @p1 .LBB2_4-.Ltmp3, $4  }
0x66: {  	v4 =	vld [tilespmem:s31+$0x40B0];
	[tilespmem:s1+$0xC0C0] =	vst v1;
	v3 =	vperm.xlane v0, v3  }
0x67: {  	v1 =	vld [tilespmem:s31+$0x40C0];
	v8 =	vperm.xlane v0, v8;
	[tilespmem:s1+$0xC0D0] =	vst v2  }
0x68: {  	v6 =	vperm.xlane v0, v6;
	v2 =	vld [tilespmem:s31+$0x40D0];
	[tilespmem:s1+$0xC0E0] =	vst v3;
	s1 =	smov.u32 s31  }
0x69: {  	s31 =	sshra.s32 s0, $0x2;
	s0 =	sadd.s32 $0x200, s0;
	v7 =	vperm.xlane v0, v7;
	v3 =	vld [tilespmem:s1+$0x40E0];
	[tilespmem:s1+$0xC0F0] =	vst v8  }
0x6a: {  	v8 =	vld [tilespmem:s31+$0x40F0];
	[tilespmem:s1+$0xC080] =	vst v6;
	v5 =	vperm.xlane v0, v5  }
0x6b: {  	v6 =	vld [tilespmem:s31+$0x4080];
	[tilespmem:s1+$0xC090] =	vst v7;
	v4 =	vperm.xlane v0, v4  }
0x6c: {  	v7 =	vld [tilespmem:s31+$0x4090];
	[tilespmem:s1+$0xC0A0] =	vst v5;
	v1 =	vperm.xlane v0, v1  }
0x6d: {  	v5 =	vld [tilespmem:s31+$0x40A0];
	[tilespmem:s1+$0xC0B0] =	vst v4;
	v2 =	vperm.xlane v0, v2  }
0x6e: {  	v4 =	vld [tilespmem:s31+$0x40B0];
	[tilespmem:s1+$0xC0C0] =	vst v1;
	v3 =	vperm.xlane v0, v3  }
0x6f: {  	v1 =	vld [tilespmem:s31+$0x40C0];
	[tilespmem:s1+$0xC0D0] =	vst v2;
	v8 =	vperm.xlane v0, v8  }
0x70: {  	v2 =	vld [tilespmem:s31+$0x40D0];
	[tilespmem:s1+$0xC0E0] =	vst v3;
	v3 =	vperm.xlane v0, v6  }
0x71: {  	v6 =	vld [tilespmem:s31+$0x40E0];
	v7 =	vperm.xlane v0, v7;
	[tilespmem:s31+$0xC0F0] =	vst v8  }
0x72: {  	[tilespmem:s31+$0xC080] =	vst v3;
	v3 =	vperm.xlane v0, v5  }
0x73: {  	[tilespmem:s31+$0xC090] =	vst v7;
	v4 =	vperm.xlane v0, v4  }
0x74: {  	[tilespmem:s31+$0xC0A0] =	vst v3;
	v1 =	vperm.xlane v0, v1  }
0x75: {  	[tilespmem:s31+$0xC0B0] =	vst v4;
	v2 =	vperm.xlane v0, v2  }
0x76: {  	[tilespmem:s31+$0xC0C0] =	vst v1;
	v1 =	vperm.xlane v0, v6  }
0x77: {  	[tilespmem:s31+$0xC0D0] =	vst v2  }
0x78: {  	s0 =	simm.s32 $0x0;
	[tilespmem:s31+$0xC0E0] =	vst v1  }
0x79: {  	[hbm4b:s8+s0] =	stream.linear.scatter [tilespmem:s26], [sflag:$0x4], $0x4000, $0x38;
	[tilespmem:$0x10080] =	vst v63  }
0x7a: {  	_ =	swait.ge [sflag:s22], $0x4000  }
0x7b: {  	[sflag:s22] =	ssyncset.done $0x0  }
0x7c: {  	[sflag:s22] =	ssyncadd.s32 $0xFFFFC000  }
0x7d: {  	[tilespmem:s23], [sflag:$0x2] =	stream.strided.gather [hbm4b:s9+s21], $0x4000, s20, s21, $0x38;
	[tilespmem:$0x10080] =	vst v63  }
0x7e: {  	_ =	swait.ge [sflag:s28], $0x4000  }
0x7f: {  	[sflag:s28] =	ssyncset.done $0x0  }
0x80: {  	s1 =	simm.s32 $0x0;
	[sflag:s28] =	ssyncadd.s32 $0xFFFFC000  }
0x81: {  	v2 =	vld [tilespmem:s1+$0xF0]  }
0x82: {  	v6 =	vld [tilespmem:s1+$0x80]  }
0x83: {  	v7 =	vld [tilespmem:s1+$0x90]  }
0x84: {  	v5 =	vld [tilespmem:s1+$0xA0]  }
0x85: {  	v4 =	vld [tilespmem:s1+$0xB0]  }
0x86: {  	v1 =	vld [tilespmem:s1+$0xC0];
	v8 =	vperm.xlane v0, v2  }
0x87: {  	v2 =	vld [tilespmem:s1+$0xD0];
	v6 =	vperm.xlane v0, v6  }
0x88: {  	s31 =	simm.s32 $0x80;
	s0 =	simm.s32 $0x400;
	v3 =	vld [tilespmem:s1+$0xE0];
	v7 =	vperm.xlane v0, v7;
	[tilespmem:s1+$0x80F0] =	vst v8  }
.LBB2_6:
0x89: {  	p1 =	sne.s32 s0, $0xFE00;
	v8 =	vld [tilespmem:s31+$0xF0];
	[tilespmem:s1+$0x8080] =	vst v6;
	v5 =	vperm.xlane v0, v5  }
0x8a: {  	v6 =	vld [tilespmem:s31+$0x80];
	[tilespmem:s1+$0x8090] =	vst v7;
	v4 =	vperm.xlane v0, v4  }
0x8b: {  	v7 =	vld [tilespmem:s31+$0x90];
	[tilespmem:s1+$0x80A0] =	vst v5;
	v1 =	vperm.xlane v0, v1  }
.Ltmp4:
0x8c: {  	v5 =	vld [tilespmem:s31+$0xA0];
	[tilespmem:s1+$0x80B0] =	vst v4;
	v2 =	vperm.xlane v0, v2;
	(pc) =	sbr.rel @p1 .LBB2_6-.Ltmp4, $4  }
0x8d: {  	v4 =	vld [tilespmem:s31+$0xB0];
	[tilespmem:s1+$0x80C0] =	vst v1;
	v3 =	vperm.xlane v0, v3  }
0x8e: {  	v1 =	vld [tilespmem:s31+$0xC0];
	v8 =	vperm.xlane v0, v8;
	[tilespmem:s1+$0x80D0] =	vst v2  }
0x8f: {  	v6 =	vperm.xlane v0, v6;
	v2 =	vld [tilespmem:s31+$0xD0];
	[tilespmem:s1+$0x80E0] =	vst v3;
	s1 =	smov.u32 s31  }
0x90: {  	s31 =	sshra.s32 s0, $0x2;
	s0 =	sadd.s32 $0x200, s0;
	v7 =	vperm.xlane v0, v7;
	v3 =	vld [tilespmem:s1+$0xE0];
	[tilespmem:s1+$0x80F0] =	vst v8  }
0x91: {  	v8 =	vld [tilespmem:s31+$0xF0];
	[tilespmem:s1+$0x8080] =	vst v6;
	v5 =	vperm.xlane v0, v5  }
0x92: {  	v6 =	vld [tilespmem:s31+$0x80];
	[tilespmem:s1+$0x8090] =	vst v7;
	v4 =	vperm.xlane v0, v4  }
0x93: {  	v7 =	vld [tilespmem:s31+$0x90];
	[tilespmem:s1+$0x80A0] =	vst v5;
	v1 =	vperm.xlane v0, v1  }
0x94: {  	v5 =	vld [tilespmem:s31+$0xA0];
	[tilespmem:s1+$0x80B0] =	vst v4;
	v2 =	vperm.xlane v0, v2  }
0x95: {  	v4 =	vld [tilespmem:s31+$0xB0];
	[tilespmem:s1+$0x80C0] =	vst v1;
	v3 =	vperm.xlane v0, v3  }
0x96: {  	v1 =	vld [tilespmem:s31+$0xC0];
	[tilespmem:s1+$0x80D0] =	vst v2;
	v8 =	vperm.xlane v0, v8  }
0x97: {  	v2 =	vld [tilespmem:s31+$0xD0];
	[tilespmem:s1+$0x80E0] =	vst v3;
	v3 =	vperm.xlane v0, v6  }
0x98: {  	v6 =	vld [tilespmem:s31+$0xE0];
	v7 =	vperm.xlane v0, v7;
	[tilespmem:s31+$0x80F0] =	vst v8  }
0x99: {  	[tilespmem:s31+$0x8080] =	vst v3;
	v3 =	vperm.xlane v0, v5  }
0x9a: {  	[tilespmem:s31+$0x8090] =	vst v7;
	v4 =	vperm.xlane v0, v4  }
0x9b: {  	[tilespmem:s31+$0x80A0] =	vst v3;
	v1 =	vperm.xlane v0, v1  }
0x9c: {  	[tilespmem:s31+$0x80B0] =	vst v4;
	v2 =	vperm.xlane v0, v2  }
0x9d: {  	[tilespmem:s31+$0x80C0] =	vst v1;
	v1 =	vperm.xlane v0, v6  }
0x9e: {  	[tilespmem:s31+$0x80D0] =	vst v2  }
0x9f: {  	s0 =	simm.s32 $0x0;
	[tilespmem:s31+$0x80E0] =	vst v1  }
0xa0: {  	[hbm4b:s10+s0] =	stream.linear.scatter [tilespmem:s24], [sflag:$0x3], $0x4000, $0x38;
	[tilespmem:$0x10080] =	vst v63  }
0xa1: {  	_ =	swait.ge [sflag:s25], $0x4000  }
0xa2: {  	[sflag:s25] =	ssyncset.done $0x0  }
0xa3: {  	[sflag:s25] =	ssyncadd.s32 $0xFFFFC000  }
0xa4: {  	[tilespmem:s21], [sflag:$0x1] =	stream.strided.gather [hbm4b:s11+s21], $0x4000, s20, s21, $0x38;
	[tilespmem:$0x10080] =	vst v63  }
0xa5: {  	_ =	swait.ge [sflag:s29], $0x4000  }
0xa6: {  	[sflag:s29] =	ssyncset.done $0x0  }
0xa7: {  	s1 =	simm.s32 $0x0;
	[sflag:s29] =	ssyncadd.s32 $0xFFFFC000  }
0xa8: {  	v2 =	vld [tilespmem:s1+$0x40F0]  }
0xa9: {  	v6 =	vld [tilespmem:s1+$0x4080]  }
0xaa: {  	v7 =	vld [tilespmem:s1+$0x4090]  }
0xab: {  	v5 =	vld [tilespmem:s1+$0x40A0]  }
0xac: {  	v4 =	vld [tilespmem:s1+$0x40B0]  }
0xad: {  	v1 =	vld [tilespmem:s1+$0x40C0];
	v8 =	vperm.xlane v0, v2  }
0xae: {  	v2 =	vld [tilespmem:s1+$0x40D0];
	v6 =	vperm.xlane v0, v6  }
0xaf: {  	s31 =	simm.s32 $0x80;
	s0 =	simm.s32 $0x400;
	v3 =	vld [tilespmem:s1+$0x40E0];
	v7 =	vperm.xlane v0, v7;
	[tilespmem:s1+$0xC0F0] =	vst v8  }
.LBB2_8:
0xb0: {  	p1 =	sne.s32 s0, $0xFE00;
	v8 =	vld [tilespmem:s31+$0x40F0];
	[tilespmem:s1+$0xC080] =	vst v6;
	v5 =	vperm.xlane v0, v5  }
0xb1: {  	v6 =	vld [tilespmem:s31+$0x4080];
	[tilespmem:s1+$0xC090] =	vst v7;
	v4 =	vperm.xlane v0, v4  }
0xb2: {  	v7 =	vld [tilespmem:s31+$0x4090];
	[tilespmem:s1+$0xC0A0] =	vst v5;
	v1 =	vperm.xlane v0, v1  }
.Ltmp5:
0xb3: {  	v5 =	vld [tilespmem:s31+$0x40A0];
	[tilespmem:s1+$0xC0B0] =	vst v4;
	v2 =	vperm.xlane v0, v2;
	(pc) =	sbr.rel @p1 .LBB2_8-.Ltmp5, $4  }
0xb4: {  	v4 =	vld [tilespmem:s31+$0x40B0];
	[tilespmem:s1+$0xC0C0] =	vst v1;
	v3 =	vperm.xlane v0, v3  }
0xb5: {  	v1 =	vld [tilespmem:s31+$0x40C0];
	v8 =	vperm.xlane v0, v8;
	[tilespmem:s1+$0xC0D0] =	vst v2  }
0xb6: {  	v6 =	vperm.xlane v0, v6;
	v2 =	vld [tilespmem:s31+$0x40D0];
	[tilespmem:s1+$0xC0E0] =	vst v3;
	s1 =	smov.u32 s31  }
0xb7: {  	s31 =	sshra.s32 s0, $0x2;
	s0 =	sadd.s32 $0x200, s0;
	v7 =	vperm.xlane v0, v7;
	v3 =	vld [tilespmem:s1+$0x40E0];
	[tilespmem:s1+$0xC0F0] =	vst v8  }
0xb8: {  	v8 =	vld [tilespmem:s31+$0x40F0];
	[tilespmem:s1+$0xC080] =	vst v6;
	v5 =	vperm.xlane v0, v5  }
0xb9: {  	v6 =	vld [tilespmem:s31+$0x4080];
	[tilespmem:s1+$0xC090] =	vst v7;
	v4 =	vperm.xlane v0, v4  }
0xba: {  	v7 =	vld [tilespmem:s31+$0x4090];
	[tilespmem:s1+$0xC0A0] =	vst v5;
	v1 =	vperm.xlane v0, v1  }
0xbb: {  	v5 =	vld [tilespmem:s31+$0x40A0];
	[tilespmem:s1+$0xC0B0] =	vst v4;
	v2 =	vperm.xlane v0, v2  }
0xbc: {  	v4 =	vld [tilespmem:s31+$0x40B0];
	[tilespmem:s1+$0xC0C0] =	vst v1;
	v3 =	vperm.xlane v0, v3  }
0xbd: {  	v1 =	vld [tilespmem:s31+$0x40C0];
	[tilespmem:s1+$0xC0D0] =	vst v2;
	v8 =	vperm.xlane v0, v8  }
0xbe: {  	v2 =	vld [tilespmem:s31+$0x40D0];
	[tilespmem:s1+$0xC0E0] =	vst v3;
	v3 =	vperm.xlane v0, v6  }
0xbf: {  	v6 =	vld [tilespmem:s31+$0x40E0];
	v7 =	vperm.xlane v0, v7;
	[tilespmem:s31+$0xC0F0] =	vst v8  }
0xc0: {  	[tilespmem:s31+$0xC080] =	vst v3;
	v3 =	vperm.xlane v0, v5  }
0xc1: {  	[tilespmem:s31+$0xC090] =	vst v7;
	v4 =	vperm.xlane v0, v4  }
0xc2: {  	[tilespmem:s31+$0xC0A0] =	vst v3;
	v1 =	vperm.xlane v0, v1  }
0xc3: {  	[tilespmem:s31+$0xC0B0] =	vst v4;
	v2 =	vperm.xlane v0, v2  }
0xc4: {  	[tilespmem:s31+$0xC0C0] =	vst v1;
	v1 =	vperm.xlane v0, v6  }
0xc5: {  	[tilespmem:s31+$0xC0D0] =	vst v2  }
0xc6: {  	s0 =	simm.s32 $0x0;
	[tilespmem:s31+$0xC0E0] =	vst v1  }
0xc7: {  	[hbm4b:s12+s0] =	stream.linear.scatter [tilespmem:s26], [sflag:$0x4], $0x4000, $0x38;
	[tilespmem:$0x10080] =	vst v63  }
0xc8: {  	_ =	swait.ge [sflag:s22], $0x4000  }
0xc9: {  	[sflag:s22] =	ssyncset.done $0x0  }
0xca: {  	[sflag:s22] =	ssyncadd.s32 $0xFFFFC000  }
0xcb: {  	[tilespmem:s23], [sflag:$0x2] =	stream.strided.gather [hbm4b:s13+s21], $0x4000, s20, s21, $0x38;
	[tilespmem:$0x10080] =	vst v63  }
0xcc: {  	_ =	swait.ge [sflag:s28], $0x4000  }
0xcd: {  	[sflag:s28] =	ssyncset.done $0x0  }
0xce: {  	s1 =	simm.s32 $0x0;
	[sflag:s28] =	ssyncadd.s32 $0xFFFFC000  }
0xcf: {  	v2 =	vld [tilespmem:s1+$0xF0]  }
0xd0: {  	v6 =	vld [tilespmem:s1+$0x80]  }
0xd1: {  	v7 =	vld [tilespmem:s1+$0x90]  }
0xd2: {  	v5 =	vld [tilespmem:s1+$0xA0]  }
0xd3: {  	v4 =	vld [tilespmem:s1+$0xB0]  }
0xd4: {  	v1 =	vld [tilespmem:s1+$0xC0];
	v8 =	vperm.xlane v0, v2  }
0xd5: {  	v2 =	vld [tilespmem:s1+$0xD0];
	v6 =	vperm.xlane v0, v6  }
0xd6: {  	s31 =	simm.s32 $0x80;
	s0 =	simm.s32 $0x400;
	v3 =	vld [tilespmem:s1+$0xE0];
	v7 =	vperm.xlane v0, v7;
	[tilespmem:s1+$0x80F0] =	vst v8  }
.LBB2_10:
0xd7: {  	p1 =	sne.s32 s0, $0xFE00;
	v8 =	vld [tilespmem:s31+$0xF0];
	[tilespmem:s1+$0x8080] =	vst v6;
	v5 =	vperm.xlane v0, v5  }
0xd8: {  	v6 =	vld [tilespmem:s31+$0x80];
	[tilespmem:s1+$0x8090] =	vst v7;
	v4 =	vperm.xlane v0, v4  }
0xd9: {  	v7 =	vld [tilespmem:s31+$0x90];
	[tilespmem:s1+$0x80A0] =	vst v5;
	v1 =	vperm.xlane v0, v1  }
.Ltmp6:
0xda: {  	v5 =	vld [tilespmem:s31+$0xA0];
	[tilespmem:s1+$0x80B0] =	vst v4;
	v2 =	vperm.xlane v0, v2;
	(pc) =	sbr.rel @p1 .LBB2_10-.Ltmp6, $4  }
0xdb: {  	v4 =	vld [tilespmem:s31+$0xB0];
	[tilespmem:s1+$0x80C0] =	vst v1;
	v3 =	vperm.xlane v0, v3  }
0xdc: {  	v1 =	vld [tilespmem:s31+$0xC0];
	v8 =	vperm.xlane v0, v8;
	[tilespmem:s1+$0x80D0] =	vst v2  }
0xdd: {  	v6 =	vperm.xlane v0, v6;
	v2 =	vld [tilespmem:s31+$0xD0];
	[tilespmem:s1+$0x80E0] =	vst v3;
	s1 =	smov.u32 s31  }
0xde: {  	s31 =	sshra.s32 s0, $0x2;
	s0 =	sadd.s32 $0x200, s0;
	v7 =	vperm.xlane v0, v7;
	v3 =	vld [tilespmem:s1+$0xE0];
	[tilespmem:s1+$0x80F0] =	vst v8  }
0xdf: {  	v8 =	vld [tilespmem:s31+$0xF0];
	[tilespmem:s1+$0x8080] =	vst v6;
	v5 =	vperm.xlane v0, v5  }
0xe0: {  	v6 =	vld [tilespmem:s31+$0x80];
	[tilespmem:s1+$0x8090] =	vst v7;
	v4 =	vperm.xlane v0, v4  }
0xe1: {  	v7 =	vld [tilespmem:s31+$0x90];
	[tilespmem:s1+$0x80A0] =	vst v5;
	v1 =	vperm.xlane v0, v1  }
0xe2: {  	v5 =	vld [tilespmem:s31+$0xA0];
	[tilespmem:s1+$0x80B0] =	vst v4;
	v2 =	vperm.xlane v0, v2  }
0xe3: {  	v4 =	vld [tilespmem:s31+$0xB0];
	[tilespmem:s1+$0x80C0] =	vst v1;
	v3 =	vperm.xlane v0, v3  }
0xe4: {  	v1 =	vld [tilespmem:s31+$0xC0];
	[tilespmem:s1+$0x80D0] =	vst v2;
	v8 =	vperm.xlane v0, v8  }
0xe5: {  	v2 =	vld [tilespmem:s31+$0xD0];
	[tilespmem:s1+$0x80E0] =	vst v3;
	v3 =	vperm.xlane v0, v6  }
0xe6: {  	v6 =	vld [tilespmem:s31+$0xE0];
	v7 =	vperm.xlane v0, v7;
	[tilespmem:s31+$0x80F0] =	vst v8  }
0xe7: {  	[tilespmem:s31+$0x8080] =	vst v3;
	v3 =	vperm.xlane v0, v5  }
0xe8: {  	[tilespmem:s31+$0x8090] =	vst v7;
	v4 =	vperm.xlane v0, v4  }
0xe9: {  	[tilespmem:s31+$0x80A0] =	vst v3;
	v1 =	vperm.xlane v0, v1  }
0xea: {  	[tilespmem:s31+$0x80B0] =	vst v4;
	v2 =	vperm.xlane v0, v2  }
0xeb: {  	[tilespmem:s31+$0x80C0] =	vst v1;
	v1 =	vperm.xlane v0, v6  }
0xec: {  	[tilespmem:s31+$0x80D0] =	vst v2  }
0xed: {  	[tilespmem:s31+$0x80E0] =	vst v1  }
0xee: {  	[hbm4b:s14+s2] =	stream.linear.scatter [tilespmem:s24], [sflag:$0x3], $0x4000, $0x38;
	[tilespmem:$0x10080] =	vst v63  }
0xef: {  	_ =	swait.ge [sflag:s25], $0x4000  }
0xf0: {  	[sflag:s25] =	ssyncset.done $0x0  }
0xf1: {  	s0 =	simm.s32 @!p0 $0x400;
	s1 =	simm.s32 @!p0 $0x80;
	[sflag:s25] =	ssyncadd.s32 $0xFFFFC000  }
0xf2: {  	[tilespmem:s1], [sflag:$0x1] =	stream.strided.gather @!p0 [hbm4b:s15+s1], $0x4000, s0, s1, $0x38;
	[tilespmem:$0x10080] =	vst v63  }
0xf3: {  	_ =	swait.ge [sflag:s29], $0x4000  }
0xf4: {  	[sflag:s29] =	ssyncset.done $0x0  }
0xf5: {  	s1 =	simm.s32 $0x0;
	[sflag:s29] =	ssyncadd.s32 $0xFFFFC000  }
0xf6: {  	v2 =	vld [tilespmem:s1+$0x40F0]  }
0xf7: {  	v6 =	vld [tilespmem:s1+$0x4080]  }
0xf8: {  	v7 =	vld [tilespmem:s1+$0x4090]  }
0xf9: {  	v5 =	vld [tilespmem:s1+$0x40A0]  }
0xfa: {  	v4 =	vld [tilespmem:s1+$0x40B0]  }
0xfb: {  	v1 =	vld [tilespmem:s1+$0x40C0];
	v8 =	vperm.xlane v0, v2  }
0xfc: {  	v2 =	vld [tilespmem:s1+$0x40D0];
	v6 =	vperm.xlane v0, v6  }
0xfd: {  	s31 =	simm.s32 $0x80;
	s0 =	simm.s32 $0x400;
	v3 =	vld [tilespmem:s1+$0x40E0];
	v7 =	vperm.xlane v0, v7;
	[tilespmem:s1+$0xC0F0] =	vst v8  }
.LBB2_12:
0xfe: {  	p1 =	sne.s32 s0, $0xFE00;
	v8 =	vld [tilespmem:s31+$0x40F0];
	[tilespmem:s1+$0xC080] =	vst v6;
	v5 =	vperm.xlane v0, v5  }
0xff: {  	v6 =	vld [tilespmem:s31+$0x4080];
	[tilespmem:s1+$0xC090] =	vst v7;
	v4 =	vperm.xlane v0, v4  }
0x100: {  	v7 =	vld [tilespmem:s31+$0x4090];
	[tilespmem:s1+$0xC0A0] =	vst v5;
	v1 =	vperm.xlane v0, v1  }
.Ltmp7:
0x101: {  	v5 =	vld [tilespmem:s31+$0x40A0];
	[tilespmem:s1+$0xC0B0] =	vst v4;
	v2 =	vperm.xlane v0, v2;
	(pc) =	sbr.rel @p1 .LBB2_12-.Ltmp7, $4  }
0x102: {  	v4 =	vld [tilespmem:s31+$0x40B0];
	[tilespmem:s1+$0xC0C0] =	vst v1;
	v3 =	vperm.xlane v0, v3  }
0x103: {  	v1 =	vld [tilespmem:s31+$0x40C0];
	v8 =	vperm.xlane v0, v8;
	[tilespmem:s1+$0xC0D0] =	vst v2  }
0x104: {  	v6 =	vperm.xlane v0, v6;
	v2 =	vld [tilespmem:s31+$0x40D0];
	[tilespmem:s1+$0xC0E0] =	vst v3;
	s1 =	smov.u32 s31  }
0x105: {  	s31 =	sshra.s32 s0, $0x2;
	s0 =	sadd.s32 $0x200, s0;
	v7 =	vperm.xlane v0, v7;
	v3 =	vld [tilespmem:s1+$0x40E0];
	[tilespmem:s1+$0xC0F0] =	vst v8  }
0x106: {  	v8 =	vld [tilespmem:s31+$0x40F0];
	[tilespmem:s1+$0xC080] =	vst v6;
	v5 =	vperm.xlane v0, v5  }
0x107: {  	v6 =	vld [tilespmem:s31+$0x4080];
	[tilespmem:s1+$0xC090] =	vst v7;
	v4 =	vperm.xlane v0, v4  }
0x108: {  	v7 =	vld [tilespmem:s31+$0x4090];
	[tilespmem:s1+$0xC0A0] =	vst v5;
	v1 =	vperm.xlane v0, v1  }
0x109: {  	v5 =	vld [tilespmem:s31+$0x40A0];
	[tilespmem:s1+$0xC0B0] =	vst v4;
	v2 =	vperm.xlane v0, v2  }
0x10a: {  	v4 =	vld [tilespmem:s31+$0x40B0];
	[tilespmem:s1+$0xC0C0] =	vst v1;
	v3 =	vperm.xlane v0, v3  }
0x10b: {  	v1 =	vld [tilespmem:s31+$0x40C0];
	[tilespmem:s1+$0xC0D0] =	vst v2;
	v8 =	vperm.xlane v0, v8  }
0x10c: {  	v2 =	vld [tilespmem:s31+$0x40D0];
	[tilespmem:s1+$0xC0E0] =	vst v3;
	v3 =	vperm.xlane v0, v6  }
0x10d: {  	v63 =	vld [tilespmem:s31+$0x40E0];
	v7 =	vperm.xlane v0, v7;
	[tilespmem:s31+$0xC0F0] =	vst v8  }
0x10e: {  	[tilespmem:s31+$0xC080] =	vst v3;
	v3 =	vperm.xlane v0, v5  }
0x10f: {  	[tilespmem:s31+$0xC090] =	vst v7;
	v4 =	vperm.xlane v0, v4  }
0x110: {  	[tilespmem:s31+$0xC0A0] =	vst v3;
	v1 =	vperm.xlane v0, v1  }
.Ltmp8:
0x111: {  	[tilespmem:s31+$0xC0B0] =	vst v4;
	v2 =	vperm.xlane v0, v2;
	(pc) =	sbr.rel @p0 .LBB2_17-.Ltmp8, $4  }
0x112: {  	[tilespmem:s31+$0xC0C0] =	vst v1;
	v1 =	vperm.xlane v0, v63  }
0x113: {  	[tilespmem:s31+$0xC0D0] =	vst v2  }
0x114: {  	s0 =	simm.s32 $0x4;
	[tilespmem:s31+$0xC0E0] =	vst v1  }
0x115: {  	[hbm4b:s16+s2] =	stream.linear.scatter [tilespmem:s26], [sflag:$0x4], $0x4000, $0x38;
	[tilespmem:$0x10080] =	vst v63  }
0x116: {  	_ =	swait.ge [sflag:s22], $0x4000  }
0x117: {  	[sflag:s22] =	ssyncset.done $0x0  }
0x118: {  	[sflag:s22] =	ssyncadd.s32 $0xFFFFC000  }
0x119: {  	_ =	swait.ge [sflag:s28], $0x4000  }
0x11a: {  	[sflag:s28] =	ssyncset.done $0x0  }
0x11b: {  	s1 =	simm.s32 $0x0;
	[sflag:s28] =	ssyncadd.s32 $0xFFFFC000  }
0x11c: {  	v2 =	vld [tilespmem:s1+$0xF0]  }
0x11d: {  	v6 =	vld [tilespmem:s1+$0x80]  }
0x11e: {  	v7 =	vld [tilespmem:s1+$0x90]  }
0x11f: {  	v5 =	vld [tilespmem:s1+$0xA0]  }
0x120: {  	v4 =	vld [tilespmem:s1+$0xB0]  }
0x121: {  	v1 =	vld [tilespmem:s1+$0xC0];
	v8 =	vperm.xlane v0, v2  }
0x122: {  	v2 =	vld [tilespmem:s1+$0xD0];
	v6 =	vperm.xlane v0, v6  }
0x123: {  	s31 =	simm.s32 $0x80;
	s0 =	simm.s32 $0x400;
	v3 =	vld [tilespmem:s1+$0xE0];
	v7 =	vperm.xlane v0, v7;
	[tilespmem:s1+$0x80F0] =	vst v8  }
.LBB2_15:
0x124: {  	p1 =	sne.s32 s0, $0xFE00;
	v8 =	vld [tilespmem:s31+$0xF0];
	[tilespmem:s1+$0x8080] =	vst v6;
	v5 =	vperm.xlane v0, v5  }
0x125: {  	v4 =	vperm.xlane v0, v4;
	v6 =	vld [tilespmem:s31+$0x80];
	[tilespmem:s1+$0x8090] =	vst v7  }
0x126: {  	v1 =	vperm.xlane v0, v1;
	v7 =	vld [tilespmem:s31+$0x90];
	[tilespmem:s1+$0x80A0] =	vst v5  }
.Ltmp9:
0x127: {  	v2 =	vperm.xlane v0, v2;
	v5 =	vld [tilespmem:s31+$0xA0];
	[tilespmem:s1+$0x80B0] =	vst v4;
	(pc) =	sbr.rel @p1 .LBB2_15-.Ltmp9, $4  }
0x128: {  	v3 =	vperm.xlane v0, v3;
	v4 =	vld [tilespmem:s31+$0xB0];
	[tilespmem:s1+$0x80C0] =	vst v1  }
0x129: {  	v1 =	vld [tilespmem:s31+$0xC0];
	v8 =	vperm.xlane v0, v8;
	[tilespmem:s1+$0x80D0] =	vst v2  }
0x12a: {  	v6 =	vperm.xlane v0, v6;
	v2 =	vld [tilespmem:s31+$0xD0];
	[tilespmem:s1+$0x80E0] =	vst v3;
	s1 =	smov.u32 s31  }
0x12b: {  	s31 =	sshra.s32 s0, $0x2;
	s0 =	sadd.s32 $0x200, s0;
	v7 =	vperm.xlane v0, v7;
	v3 =	vld [tilespmem:s1+$0xE0];
	[tilespmem:s1+$0x80F0] =	vst v8  }
.Ltmp10:
0x12c: {  	_ = 	snop;
	(pc) =	sbr.rel .LBB2_16-.Ltmp10, $1  }
0x12d: {  	_ =	sdelay $0x3  }
.LBB2_18:
0x12e: {  	_ =	sfence.sel $0x180000  }
0x12f: {  	[bflag:$0x0] =	sbarrier.arrive $0xFFFF  }
0x130: {  	_ =	strace $0x90000047  }
0x131: {  	s0 =	stileid.u32;
	[bflag:$0x2] =	sbarrier.arrive $0xFFFF  }
0x132: {  	p0 =	sne.s32 s0, $0x0;
	s0 =	rddreg [dreg:$0x3]  }
0x133: {  	s0 =	sadd.s32 @!p0 $0x100000, s0  }
0x134: {  	[sflag:s0] =	ssyncadd.tile.s32 @!p0 $0x1;
	_ =	shalt  }
.Lfunc_end2:
_tile_overlayer_lowered:
.L_overlay_start_2:
0x135: {  	(tag) =	ssettag $0x2  }
0x136: {  	s0 =	rddreg [dreg:$0x0];
	s2 =	stileid.u32  }
0x137: {  	s1 =	rddreg [dreg:$0x1];
	p0 =	sne.s32 s2, $0x0  }
0x138: {  	s3 =	rddreg [dreg:$0x2];
	[bflag:$0x3] =	sbarrier.arrive $0xFFFF;
	s2 =	simm.s32 @!p0 $0x1C05  }
0x139: {  	[timem:s3], [sflag:s2] =	dma.local @!p0 [hbm:s0], s1  }
0x13a: {  	s0 =	simm.s32 @!p0 $0x5  }
0x13b: {  	_ =	swait.ge @!p0 [sflag:s0], s1  }
0x13c: {  	s1 =	ssub.s32 @!p0 $0x0, s1;
	[sflag:s0] =	ssyncset.done @!p0 $0x0  }
0x13d: {  	[sflag:s0] =	ssyncadd.s32 @!p0 s1  }
0x13e: {  	[bflag:$0x3] =	sbarrier.arrive $0xFFFF  }
0x13f: {  	_ =	shalt  }

</sc_bundles>
